<compile_context>
chip_gen: v7x
topology: tpu7x:2x2x1
jax: 0.10.2.dev20260603
libtpu: 0.0.44.dev20260713+nightly
codegen_flags: <defaults>
</compile_context>

<pallas_src>
import functools
import jax
import jax.numpy as jnp
from jax import lax
from jax.experimental import pallas as pl
from jax.experimental.pallas import tpu as pltpu, tpu_sc as plsc

D_MODEL = 1024
SEQ_LEN = 2048
BATCH = 4
SCALE = 32.0

NUM_CORES = 2
NUM_SUBCORES = 16
NUM_WORKERS = NUM_CORES * NUM_SUBCORES
S_PER_W = SEQ_LEN // NUM_WORKERS
CHUNK_P = 8
CHUNKS = S_PER_W // CHUNK_P
ROWS = BATCH * CHUNK_P
NBUF = 3
LANES = 16
NSLICE = D_MODEL // LANES
IDS = BATCH * S_PER_W

_mesh = plsc.VectorSubcoreMesh(core_axis_name="c", subcore_axis_name="s")


@functools.partial(
    pl.kernel,
    mesh=_mesh,
    out_type=jax.ShapeDtypeStruct((BATCH, SEQ_LEN, D_MODEL), jnp.float32),
    scratch_types=[
        pltpu.VMEM((IDS,), jnp.int32),
        pltpu.VMEM((IDS,), jnp.int32),
        pltpu.VMEM((2, CHUNK_P, D_MODEL), jnp.float32),
        pltpu.VMEM((NBUF, ROWS, D_MODEL), jnp.float32),
        pltpu.SemaphoreType.DMA,
        pltpu.SemaphoreType.DMA,
        pltpu.SemaphoreType.DMA,
    ],
)
def _embed(
    x_hbm, table_hbm, pe_hbm, out_hbm, idx_n, idx_p, pe_v, rows_v, gsem, ssem, psem
):
    wid = lax.axis_index("s") * NUM_CORES + lax.axis_index("c")
    s_base = wid * S_PER_W

    idx_handles = [
        pltpu.async_copy(
            x_hbm.at[b, pl.ds(s_base, S_PER_W)],
            idx_n.at[pl.ds(b * S_PER_W, S_PER_W)],
            psem,
        )
        for b in range(BATCH)
    ]
    for h in idx_handles:
        h.wait()

    low = lax.iota(jnp.int32, LANES) < 8

    def permute_chunk(g):
        for b0 in range(0, BATCH, 2):
            v1 = idx_n[pl.ds(b0 * S_PER_W + g * CHUNK_P, LANES)]
            v2 = idx_n[pl.ds((b0 + 1) * S_PER_W + g * CHUNK_P - 8, LANES)]
            idx_p[pl.ds(g * ROWS + b0 * CHUNK_P, LANES)] = jnp.where(low, v1, v2)

    def issue_gather(g):
        off = pl.multiple_of(g * ROWS, 8)
        pltpu.async_copy(
            table_hbm.at[idx_p.at[pl.ds(off, ROWS)]], rows_v.at[g % NBUF], gsem
        )

    def issue_pe(g):
        pltpu.async_copy(
            pe_hbm.at[0, pl.ds(s_base + g * CHUNK_P, CHUNK_P)], pe_v.at[g % 2], psem
        )

    def wait_gather():
        pltpu.make_async_copy(table_hbm.at[pl.ds(0, ROWS)], rows_v.at[0], gsem).wait()

    def wait_pe():
        pltpu.make_async_copy(pe_hbm.at[0, pl.ds(0, CHUNK_P)], pe_v.at[0], psem).wait()

    def wait_store():
        pltpu.make_async_copy(rows_v.at[0], out_hbm.at[0, pl.ds(0, ROWS)], ssem).wait()

    permute_chunk(0)
    issue_gather(0)
    issue_pe(0)
    for g in range(1, CHUNKS):
        permute_chunk(g)

    def body(g, carry):
        buf = g % NBUF
        pebuf = g % 2

        @pl.when(g + 1 < CHUNKS)
        def _issue_next():
            @pl.when(g >= 2)
            def _drain():
                wait_store()

            issue_gather(g + 1)
            issue_pe(g + 1)

        wait_gather()
        wait_pe()

        @plsc.parallel_loop(0, CHUNK_P)
        def _p_loop(p):
            @plsc.parallel_loop(0, NSLICE, unroll=4)
            def _j_loop(j):
                c = j * LANES
                pe_vec = pe_v[pebuf, p, pl.ds(c, LANES)]
                for b in range(BATCH):
                    r = b * CHUNK_P + p
                    rows_v[buf, r, pl.ds(c, LANES)] = (
                        rows_v[buf, r, pl.ds(c, LANES)] * SCALE + pe_vec
                    )

        for b in range(BATCH):
            pltpu.async_copy(
                rows_v.at[buf, pl.ds(b * CHUNK_P, CHUNK_P)],
                out_hbm.at[b, pl.ds(s_base + g * CHUNK_P, CHUNK_P)],
                ssem,
            )

        return carry

    lax.fori_loop(0, CHUNKS, body, 0)
    wait_store()
    wait_store()
    wait_store()


def kernel(x, token_table, pe):
    return _embed(x.astype(jnp.int32), token_table, pe)

# --- scband reference (transcript-rebuilt; emitter-appended) ---
"""Pipeline reference for scband-transformer-embedding-62886911148569 (READ-ONLY COPY).

The authoritative reference and input builder live on the scoring server;
editing this copy changes nothing except your own understanding.
"""

import jax, jax.numpy as jnp
import numpy as np
import math

VOCAB = 100000
D_MODEL = 1024
SEQ_LEN = 2048
BATCH = 4

def _make_pe(d_model, seq_len):
    position = np.arange(seq_len, dtype=np.float32)[:, None]
    div_term = np.exp(np.arange(0, d_model, 2, dtype=np.float32) * (-math.log(10000.0) / d_model))
    pe = np.zeros((seq_len, d_model), dtype=np.float32)
    pe[:, 0::2] = np.sin(position * div_term)
    pe[:, 1::2] = np.cos(position * div_term)
    return jnp.asarray(pe[None, :, :])

def setup_inputs(seed: int = 0):
    key = jax.random.key(seed)
    k1, k2 = jax.random.split(key)
    x = jax.random.randint(k1, (BATCH, SEQ_LEN), 0, VOCAB)
    token_table = jax.random.normal(k2, (VOCAB, D_MODEL), dtype=jnp.float32)
    pe = _make_pe(D_MODEL, SEQ_LEN)
    return {"x": x, "token_table": token_table, "pe": pe}

def reference(x, token_table, pe):
    # token embedding lookup, scaled by sqrt(d_model)
    token_embedding = jnp.take(token_table, x, axis=0) * math.sqrt(D_MODEL)
    # positional embedding slice (buffer, non-learned)
    positional_embedding = pe[:, :x.shape[1], :]
    embedded = token_embedding + positional_embedding
    # dropout is identity in eval/deterministic mode
    return embedded

if __name__ == "__main__":
    import jax
    _d = setup_inputs()
    print(jax.jit(kernel)(*tuple(_d.values())))

</pallas_src>

<mosaic_0001>
#map = affine_map<(d0, d1) -> (0, 0)>
#map1 = affine_map<(d0, d1) -> (0, 0, 0)>
module attributes {stable_mosaic.version = 14 : i64} {
  func.func @_embed(%arg0: i32, %arg1: i32, %arg2: memref<4x2048xi32, #tpu.memory_space<hbm>>, %arg3: memref<100000x1024xf32, #tpu.memory_space<hbm>>, %arg4: memref<1x2048x1024xf32, #tpu.memory_space<hbm>>, %arg5: memref<4x2048x1024xf32, #tpu.memory_space<hbm>>, %arg6: memref<256xi32, #tpu.memory_space<vmem>>, %arg7: memref<256xi32, #tpu.memory_space<vmem>>, %arg8: memref<2x8x1024xf32, #tpu.memory_space<vmem>>, %arg9: memref<3x32x1024xf32, #tpu.memory_space<vmem>>, %arg10: memref<!tpu.dma_semaphore, #tpu.memory_space<semaphore_mem>>, %arg11: memref<!tpu.dma_semaphore, #tpu.memory_space<semaphore_mem>>, %arg12: memref<!tpu.dma_semaphore, #tpu.memory_space<semaphore_mem>>) attributes {dimension_semantics = [#tpu.dimension_semantics<core_parallel>, #tpu.dimension_semantics<subcore_parallel>], iteration_bounds = array<i64: 2, 16>, scalar_prefetch = 0 : i64, scratch_operands = 7 : i64, tpu.core_type = #tpu.core_type<sc_vector_subcore>, window_params = [{transform_indices = #map}, {transform_indices = #map}, {transform_indices = #map1}, {transform_indices = #map1}]} {
    %mul3A = arith.constant 2 : i32
    %mul3A_0 = arith.muli %arg1, %mul3A : i32
    %add3A = arith.addi %mul3A_0, %arg0 : i32
    %mul3A_1 = arith.constant 64 : i32
    %mul3A_2 = arith.muli %add3A, %mul3A_1 : i32
    %dma_start3A = arith.constant 0 : i32
    %dma_start3A_3 = arith.constant 0 : i32
    %dma_start3A_4 = tpu.memref_slice %arg6[%dma_start3A_3] : memref<256xi32, #tpu.memory_space<vmem>> -> memref<64xi32, #tpu.memory_space<vmem>>
    %dma_start3A_5 = tpu.memref_slice %arg2[%dma_start3A, %mul3A_2] : memref<4x2048xi32, #tpu.memory_space<hbm>> -> memref<1x64xi32, #tpu.memory_space<hbm>>
    %dma_start3A_6 = tpu.memref_squeeze %dma_start3A_5 : memref<1x64xi32, #tpu.memory_space<hbm>> -> memref<64xi32, #tpu.memory_space<hbm>>
    %dma_start3A_7 = arith.constant 0 : i32
    %dma_start3A_8 = tpu.memref_slice %arg6[%dma_start3A_7] : memref<256xi32, #tpu.memory_space<vmem>> -> memref<64xi32, #tpu.memory_space<vmem>>
    %dma_start3A_9 = tpu.memref_slice %arg2[%dma_start3A, %mul3A_2] : memref<4x2048xi32, #tpu.memory_space<hbm>> -> memref<1x64xi32, #tpu.memory_space<hbm>>
    %dma_start3A_10 = tpu.memref_squeeze %dma_start3A_9 : memref<1x64xi32, #tpu.memory_space<hbm>> -> memref<64xi32, #tpu.memory_space<hbm>>
    tpu.enqueue_dma source(%dma_start3A_10 : memref<64xi32, #tpu.memory_space<hbm>>) target(%dma_start3A_8 : memref<64xi32, #tpu.memory_space<vmem>>) target_semaphore(%arg12 : memref<!tpu.dma_semaphore, #tpu.memory_space<semaphore_mem>>)
    %dma_start3A_11 = arith.constant 1 : i32
    %dma_start3A_12 = arith.constant 64 : i32
    %dma_start3A_13 = tpu.memref_slice %arg6[%dma_start3A_12] : memref<256xi32, #tpu.memory_space<vmem>> -> memref<64xi32, #tpu.memory_space<vmem>>
    %dma_start3A_14 = tpu.memref_slice %arg2[%dma_start3A_11, %mul3A_2] : memref<4x2048xi32, #tpu.memory_space<hbm>> -> memref<1x64xi32, #tpu.memory_space<hbm>>
    %dma_start3A_15 = tpu.memref_squeeze %dma_start3A_14 : memref<1x64xi32, #tpu.memory_space<hbm>> -> memref<64xi32, #tpu.memory_space<hbm>>
    %dma_start3A_16 = arith.constant 64 : i32
    %dma_start3A_17 = tpu.memref_slice %arg6[%dma_start3A_16] : memref<256xi32, #tpu.memory_space<vmem>> -> memref<64xi32, #tpu.memory_space<vmem>>
    %dma_start3A_18 = tpu.memref_slice %arg2[%dma_start3A_11, %mul3A_2] : memref<4x2048xi32, #tpu.memory_space<hbm>> -> memref<1x64xi32, #tpu.memory_space<hbm>>
    %dma_start3A_19 = tpu.memref_squeeze %dma_start3A_18 : memref<1x64xi32, #tpu.memory_space<hbm>> -> memref<64xi32, #tpu.memory_space<hbm>>
    tpu.enqueue_dma source(%dma_start3A_19 : memref<64xi32, #tpu.memory_space<hbm>>) target(%dma_start3A_17 : memref<64xi32, #tpu.memory_space<vmem>>) target_semaphore(%arg12 : memref<!tpu.dma_semaphore, #tpu.memory_space<semaphore_mem>>)
    %dma_start3A_20 = arith.constant 2 : i32
    %dma_start3A_21 = arith.constant 128 : i32
    %dma_start3A_22 = tpu.memref_slice %arg6[%dma_start3A_21] : memref<256xi32, #tpu.memory_space<vmem>> -> memref<64xi32, #tpu.memory_space<vmem>>
    %dma_start3A_23 = tpu.memref_slice %arg2[%dma_start3A_20, %mul3A_2] : memref<4x2048xi32, #tpu.memory_space<hbm>> -> memref<1x64xi32, #tpu.memory_space<hbm>>
    %dma_start3A_24 = tpu.memref_squeeze %dma_start3A_23 : memref<1x64xi32, #tpu.memory_space<hbm>> -> memref<64xi32, #tpu.memory_space<hbm>>
    %dma_start3A_25 = arith.constant 128 : i32
    %dma_start3A_26 = tpu.memref_slice %arg6[%dma_start3A_25] : memref<256xi32, #tpu.memory_space<vmem>> -> memref<64xi32, #tpu.memory_space<vmem>>
    %dma_start3A_27 = tpu.memref_slice %arg2[%dma_start3A_20, %mul3A_2] : memref<4x2048xi32, #tpu.memory_space<hbm>> -> memref<1x64xi32, #tpu.memory_space<hbm>>
    %dma_start3A_28 = tpu.memref_squeeze %dma_start3A_27 : memref<1x64xi32, #tpu.memory_space<hbm>> -> memref<64xi32, #tpu.memory_space<hbm>>
    tpu.enqueue_dma source(%dma_start3A_28 : memref<64xi32, #tpu.memory_space<hbm>>) target(%dma_start3A_26 : memref<64xi32, #tpu.memory_space<vmem>>) target_semaphore(%arg12 : memref<!tpu.dma_semaphore, #tpu.memory_space<semaphore_mem>>)
    %dma_start3A_29 = arith.constant 3 : i32
    %dma_start3A_30 = arith.constant 192 : i32
    %dma_start3A_31 = tpu.memref_slice %arg6[%dma_start3A_30] : memref<256xi32, #tpu.memory_space<vmem>> -> memref<64xi32, #tpu.memory_space<vmem>>
    %dma_start3A_32 = tpu.memref_slice %arg2[%dma_start3A_29, %mul3A_2] : memref<4x2048xi32, #tpu.memory_space<hbm>> -> memref<1x64xi32, #tpu.memory_space<hbm>>
    %dma_start3A_33 = tpu.memref_squeeze %dma_start3A_32 : memref<1x64xi32, #tpu.memory_space<hbm>> -> memref<64xi32, #tpu.memory_space<hbm>>
    %dma_start3A_34 = arith.constant 192 : i32
    %dma_start3A_35 = tpu.memref_slice %arg6[%dma_start3A_34] : memref<256xi32, #tpu.memory_space<vmem>> -> memref<64xi32, #tpu.memory_space<vmem>>
    %dma_start3A_36 = tpu.memref_slice %arg2[%dma_start3A_29, %mul3A_2] : memref<4x2048xi32, #tpu.memory_space<hbm>> -> memref<1x64xi32, #tpu.memory_space<hbm>>
    %dma_start3A_37 = tpu.memref_squeeze %dma_start3A_36 : memref<1x64xi32, #tpu.memory_space<hbm>> -> memref<64xi32, #tpu.memory_space<hbm>>
    tpu.enqueue_dma source(%dma_start3A_37 : memref<64xi32, #tpu.memory_space<hbm>>) target(%dma_start3A_35 : memref<64xi32, #tpu.memory_space<vmem>>) target_semaphore(%arg12 : memref<!tpu.dma_semaphore, #tpu.memory_space<semaphore_mem>>)
    %dma_wait3A = arith.constant 0 : i32
    %dma_wait3A_38 = arith.constant 0 : i32
    %dma_wait3A_39 = tpu.memref_slice %arg6[%dma_wait3A_38] : memref<256xi32, #tpu.memory_space<vmem>> -> memref<64xi32, #tpu.memory_space<vmem>>
    %dma_wait3A_40 = tpu.memref_slice %arg2[%dma_wait3A, %mul3A_2] : memref<4x2048xi32, #tpu.memory_space<hbm>> -> memref<1x64xi32, #tpu.memory_space<hbm>>
    %dma_wait3A_41 = tpu.memref_squeeze %dma_wait3A_40 : memref<1x64xi32, #tpu.memory_space<hbm>> -> memref<64xi32, #tpu.memory_space<hbm>>
    %dma_wait3A_42 = arith.constant 0 : i32
    %dma_wait3A_43 = tpu.memref_slice %arg6[%dma_wait3A_42] : memref<256xi32, #tpu.memory_space<vmem>> -> memref<64xi32, #tpu.memory_space<vmem>>
    %dma_wait3A_44 = tpu.memref_slice %arg2[%dma_wait3A, %mul3A_2] : memref<4x2048xi32, #tpu.memory_space<hbm>> -> memref<1x64xi32, #tpu.memory_space<hbm>>
    %dma_wait3A_45 = tpu.memref_squeeze %dma_wait3A_44 : memref<1x64xi32, #tpu.memory_space<hbm>> -> memref<64xi32, #tpu.memory_space<hbm>>
    tpu.wait_dma2 semaphore(%arg12 : memref<!tpu.dma_semaphore, #tpu.memory_space<semaphore_mem>>) src(%dma_wait3A_45 : memref<64xi32, #tpu.memory_space<hbm>>) dst(%dma_wait3A_43 : memref<64xi32, #tpu.memory_space<vmem>>)
    %dma_wait3A_46 = arith.constant 1 : i32
    %dma_wait3A_47 = arith.constant 64 : i32
    %dma_wait3A_48 = tpu.memref_slice %arg6[%dma_wait3A_47] : memref<256xi32, #tpu.memory_space<vmem>> -> memref<64xi32, #tpu.memory_space<vmem>>
    %dma_wait3A_49 = tpu.memref_slice %arg2[%dma_wait3A_46, %mul3A_2] : memref<4x2048xi32, #tpu.memory_space<hbm>> -> memref<1x64xi32, #tpu.memory_space<hbm>>
    %dma_wait3A_50 = tpu.memref_squeeze %dma_wait3A_49 : memref<1x64xi32, #tpu.memory_space<hbm>> -> memref<64xi32, #tpu.memory_space<hbm>>
    %dma_wait3A_51 = arith.constant 64 : i32
    %dma_wait3A_52 = tpu.memref_slice %arg6[%dma_wait3A_51] : memref<256xi32, #tpu.memory_space<vmem>> -> memref<64xi32, #tpu.memory_space<vmem>>
    %dma_wait3A_53 = tpu.memref_slice %arg2[%dma_wait3A_46, %mul3A_2] : memref<4x2048xi32, #tpu.memory_space<hbm>> -> memref<1x64xi32, #tpu.memory_space<hbm>>
    %dma_wait3A_54 = tpu.memref_squeeze %dma_wait3A_53 : memref<1x64xi32, #tpu.memory_space<hbm>> -> memref<64xi32, #tpu.memory_space<hbm>>
    tpu.wait_dma2 semaphore(%arg12 : memref<!tpu.dma_semaphore, #tpu.memory_space<semaphore_mem>>) src(%dma_wait3A_54 : memref<64xi32, #tpu.memory_space<hbm>>) dst(%dma_wait3A_52 : memref<64xi32, #tpu.memory_space<vmem>>)
    %dma_wait3A_55 = arith.constant 2 : i32
    %dma_wait3A_56 = arith.constant 128 : i32
    %dma_wait3A_57 = tpu.memref_slice %arg6[%dma_wait3A_56] : memref<256xi32, #tpu.memory_space<vmem>> -> memref<64xi32, #tpu.memory_space<vmem>>
    %dma_wait3A_58 = tpu.memref_slice %arg2[%dma_wait3A_55, %mul3A_2] : memref<4x2048xi32, #tpu.memory_space<hbm>> -> memref<1x64xi32, #tpu.memory_space<hbm>>
    %dma_wait3A_59 = tpu.memref_squeeze %dma_wait3A_58 : memref<1x64xi32, #tpu.memory_space<hbm>> -> memref<64xi32, #tpu.memory_space<hbm>>
    %dma_wait3A_60 = arith.constant 128 : i32
    %dma_wait3A_61 = tpu.memref_slice %arg6[%dma_wait3A_60] : memref<256xi32, #tpu.memory_space<vmem>> -> memref<64xi32, #tpu.memory_space<vmem>>
    %dma_wait3A_62 = tpu.memref_slice %arg2[%dma_wait3A_55, %mul3A_2] : memref<4x2048xi32, #tpu.memory_space<hbm>> -> memref<1x64xi32, #tpu.memory_space<hbm>>
    %dma_wait3A_63 = tpu.memref_squeeze %dma_wait3A_62 : memref<1x64xi32, #tpu.memory_space<hbm>> -> memref<64xi32, #tpu.memory_space<hbm>>
    tpu.wait_dma2 semaphore(%arg12 : memref<!tpu.dma_semaphore, #tpu.memory_space<semaphore_mem>>) src(%dma_wait3A_63 : memref<64xi32, #tpu.memory_space<hbm>>) dst(%dma_wait3A_61 : memref<64xi32, #tpu.memory_space<vmem>>)
    %dma_wait3A_64 = arith.constant 3 : i32
    %dma_wait3A_65 = arith.constant 192 : i32
    %dma_wait3A_66 = tpu.memref_slice %arg6[%dma_wait3A_65] : memref<256xi32, #tpu.memory_space<vmem>> -> memref<64xi32, #tpu.memory_space<vmem>>
    %dma_wait3A_67 = tpu.memref_slice %arg2[%dma_wait3A_64, %mul3A_2] : memref<4x2048xi32, #tpu.memory_space<hbm>> -> memref<1x64xi32, #tpu.memory_space<hbm>>
    %dma_wait3A_68 = tpu.memref_squeeze %dma_wait3A_67 : memref<1x64xi32, #tpu.memory_space<hbm>> -> memref<64xi32, #tpu.memory_space<hbm>>
    %dma_wait3A_69 = arith.constant 192 : i32
    %dma_wait3A_70 = tpu.memref_slice %arg6[%dma_wait3A_69] : memref<256xi32, #tpu.memory_space<vmem>> -> memref<64xi32, #tpu.memory_space<vmem>>
    %dma_wait3A_71 = tpu.memref_slice %arg2[%dma_wait3A_64, %mul3A_2] : memref<4x2048xi32, #tpu.memory_space<hbm>> -> memref<1x64xi32, #tpu.memory_space<hbm>>
    %dma_wait3A_72 = tpu.memref_squeeze %dma_wait3A_71 : memref<1x64xi32, #tpu.memory_space<hbm>> -> memref<64xi32, #tpu.memory_space<hbm>>
    tpu.wait_dma2 semaphore(%arg12 : memref<!tpu.dma_semaphore, #tpu.memory_space<semaphore_mem>>) src(%dma_wait3A_72 : memref<64xi32, #tpu.memory_space<hbm>>) dst(%dma_wait3A_70 : memref<64xi32, #tpu.memory_space<vmem>>)
    %iota3A = tpu.iota {dimensions = array<i32: 0>} : vector<16xi32>
    %lt3A = arith.constant 8 : i32
    %lt3A_73 = vector.broadcast %lt3A : i32 to vector<16xi32>
    %lt3A_74 = arith.cmpi slt, %iota3A, %lt3A_73 : vector<16xi32>
    %get3A = arith.constant 0 : index
    %get3A_75 = tpu.vector_load %arg6[%get3A] {strides = array<i32>} : memref<256xi32, #tpu.memory_space<vmem>>, vector<16xi32>,
    %get3A_76 = vector.shape_cast %get3A_75 : vector<16xi32> to vector<16xi32>
    %get3A_77 = arith.constant 56 : index
    %get3A_78 = tpu.vector_load %arg6[%get3A_77] {strides = array<i32>} : memref<256xi32, #tpu.memory_space<vmem>>, vector<16xi32>,
    %get3A_79 = vector.shape_cast %get3A_78 : vector<16xi32> to vector<16xi32>
    %select_n3A = arith.select %lt3A_74, %get3A_76, %get3A_79 : vector<16xi1>, vector<16xi32>
    %swap3A = arith.constant 0 : index
    %swap3A_80 = tpu.vector_load %arg7[%swap3A] {strides = array<i32>} : memref<256xi32, #tpu.memory_space<vmem>>, vector<16xi32>,
    %swap3A_81 = vector.shape_cast %swap3A_80 : vector<16xi32> to vector<16xi32>
    %swap3A_82 = vector.shape_cast %select_n3A : vector<16xi32> to vector<16xi32>
    tpu.vector_store %arg7[%swap3A], %swap3A_82 {strides = array<i32>} : memref<256xi32, #tpu.memory_space<vmem>>, vector<16xi32>,
    %get3A_83 = arith.constant 128 : index
    %get3A_84 = tpu.vector_load %arg6[%get3A_83] {strides = array<i32>} : memref<256xi32, #tpu.memory_space<vmem>>, vector<16xi32>,
    %get3A_85 = vector.shape_cast %get3A_84 : vector<16xi32> to vector<16xi32>
    %get3A_86 = arith.constant 184 : index
    %get3A_87 = tpu.vector_load %arg6[%get3A_86] {strides = array<i32>} : memref<256xi32, #tpu.memory_space<vmem>>, vector<16xi32>,
    %get3A_88 = vector.shape_cast %get3A_87 : vector<16xi32> to vector<16xi32>
    %select_n3A_89 = arith.select %lt3A_74, %get3A_85, %get3A_88 : vector<16xi1>, vector<16xi32>
    %swap3A_90 = arith.constant 16 : index
    %swap3A_91 = tpu.vector_load %arg7[%swap3A_90] {strides = array<i32>} : memref<256xi32, #tpu.memory_space<vmem>>, vector<16xi32>,
    %swap3A_92 = vector.shape_cast %swap3A_91 : vector<16xi32> to vector<16xi32>
    %swap3A_93 = vector.shape_cast %select_n3A_89 : vector<16xi32> to vector<16xi32>
    tpu.vector_store %arg7[%swap3A_90], %swap3A_93 {strides = array<i32>} : memref<256xi32, #tpu.memory_space<vmem>>, vector<16xi32>,
    %multiple_of3A = arith.constant 0 : i32
    %multiple_of3A_94 = tpu.assume_multiple %multiple_of3A, 8 : i32
    %dma_start3A_95 = arith.constant 0 : i32
    %dma_start3A_96 = arith.constant 0 : i32
    %dma_start3A_97 = arith.constant 0 : i32
    %dma_start3A_98 = tpu.memref_slice %arg9[%dma_start3A_95, %dma_start3A_96, %dma_start3A_97] : memref<3x32x1024xf32, #tpu.memory_space<vmem>> -> memref<1x32x1024xf32, #tpu.memory_space<vmem>>
    %dma_start3A_99 = tpu.memref_squeeze %dma_start3A_98 : memref<1x32x1024xf32, #tpu.memory_space<vmem>> -> memref<32x1024xf32, #tpu.memory_space<vmem>>
    %dma_start3A_100 = tpu.memref_slice %arg7[%multiple_of3A_94] : memref<256xi32, #tpu.memory_space<vmem>> -> memref<32xi32, #tpu.memory_space<vmem>>
    %dma_start3A_101 = arith.constant 0 : i32
    %dma_start3A_102 = arith.constant 0 : i32
    %dma_start3A_103 = tpu.memref_slice %arg3[%dma_start3A_101, %dma_start3A_102] : memref<100000x1024xf32, #tpu.memory_space<hbm>> -> memref<100000x1024xf32, #tpu.memory_space<hbm>>
    tpu.enqueue_indirect_dma source(%dma_start3A_103 : memref<100000x1024xf32, #tpu.memory_space<hbm>>) target(%dma_start3A_99 : memref<32x1024xf32, #tpu.memory_space<vmem>>) offsets(%dma_start3A_100 : memref<32xi32, #tpu.memory_space<vmem>>) semaphore(%arg10 : memref<!tpu.dma_semaphore, #tpu.memory_space<semaphore_mem>>)
    %add3A_104 = arith.constant 0 : i32
    %add3A_105 = arith.addi %mul3A_2, %add3A_104 : i32
    %dma_start3A_106 = arith.constant 0 : i32
    %dma_start3A_107 = arith.constant 0 : i32
    %dma_start3A_108 = arith.constant 0 : i32
    %dma_start3A_109 = arith.constant 0 : i32
    %dma_start3A_110 = tpu.memref_slice %arg8[%dma_start3A_107, %dma_start3A_108, %dma_start3A_109] : memref<2x8x1024xf32, #tpu.memory_space<vmem>> -> memref<1x8x1024xf32, #tpu.memory_space<vmem>>
    %dma_start3A_111 = tpu.memref_squeeze %dma_start3A_110 : memref<1x8x1024xf32, #tpu.memory_space<vmem>> -> memref<8x1024xf32, #tpu.memory_space<vmem>>
    %dma_start3A_112 = arith.constant 0 : i32
    %dma_start3A_113 = tpu.memref_slice %arg4[%dma_start3A_106, %add3A_105, %dma_start3A_112] : memref<1x2048x1024xf32, #tpu.memory_space<hbm>> -> memref<1x8x1024xf32, #tpu.memory_space<hbm>>
    %dma_start3A_114 = tpu.memref_squeeze %dma_start3A_113 : memref<1x8x1024xf32, #tpu.memory_space<hbm>> -> memref<8x1024xf32, #tpu.memory_space<hbm>>
    %dma_start3A_115 = arith.constant 0 : i32
    %dma_start3A_116 = arith.constant 0 : i32
    %dma_start3A_117 = tpu.memref_slice %arg8[%dma_start3A_107, %dma_start3A_115, %dma_start3A_116] : memref<2x8x1024xf32, #tpu.memory_space<vmem>> -> memref<1x8x1024xf32, #tpu.memory_space<vmem>>
    %dma_start3A_118 = tpu.memref_squeeze %dma_start3A_117 : memref<1x8x1024xf32, #tpu.memory_space<vmem>> -> memref<8x1024xf32, #tpu.memory_space<vmem>>
    %dma_start3A_119 = arith.constant 0 : i32
    %dma_start3A_120 = tpu.memref_slice %arg4[%dma_start3A_106, %add3A_105, %dma_start3A_119] : memref<1x2048x1024xf32, #tpu.memory_space<hbm>> -> memref<1x8x1024xf32, #tpu.memory_space<hbm>>
    %dma_start3A_121 = tpu.memref_squeeze %dma_start3A_120 : memref<1x8x1024xf32, #tpu.memory_space<hbm>> -> memref<8x1024xf32, #tpu.memory_space<hbm>>
    tpu.enqueue_dma source(%dma_start3A_121 : memref<8x1024xf32, #tpu.memory_space<hbm>>) target(%dma_start3A_118 : memref<8x1024xf32, #tpu.memory_space<vmem>>) target_semaphore(%arg12 : memref<!tpu.dma_semaphore, #tpu.memory_space<semaphore_mem>>)
    %get3A_122 = arith.constant 8 : index
    %get3A_123 = tpu.vector_load %arg6[%get3A_122] {strides = array<i32>} : memref<256xi32, #tpu.memory_space<vmem>>, vector<16xi32>,
    %get3A_124 = vector.shape_cast %get3A_123 : vector<16xi32> to vector<16xi32>
    %get3A_125 = arith.constant 64 : index
    %get3A_126 = tpu.vector_load %arg6[%get3A_125] {strides = array<i32>} : memref<256xi32, #tpu.memory_space<vmem>>, vector<16xi32>,
    %get3A_127 = vector.shape_cast %get3A_126 : vector<16xi32> to vector<16xi32>
    %select_n3A_128 = arith.select %lt3A_74, %get3A_124, %get3A_127 : vector<16xi1>, vector<16xi32>
    %swap3A_129 = arith.constant 32 : index
    %swap3A_130 = tpu.vector_load %arg7[%swap3A_129] {strides = array<i32>} : memref<256xi32, #tpu.memory_space<vmem>>, vector<16xi32>,
    %swap3A_131 = vector.shape_cast %swap3A_130 : vector<16xi32> to vector<16xi32>
    %swap3A_132 = vector.shape_cast %select_n3A_128 : vector<16xi32> to vector<16xi32>
    tpu.vector_store %arg7[%swap3A_129], %swap3A_132 {strides = array<i32>} : memref<256xi32, #tpu.memory_space<vmem>>, vector<16xi32>,
    %get3A_133 = arith.constant 136 : index
    %get3A_134 = tpu.vector_load %arg6[%get3A_133] {strides = array<i32>} : memref<256xi32, #tpu.memory_space<vmem>>, vector<16xi32>,
    %get3A_135 = vector.shape_cast %get3A_134 : vector<16xi32> to vector<16xi32>
    %get3A_136 = arith.constant 192 : index
    %get3A_137 = tpu.vector_load %arg6[%get3A_136] {strides = array<i32>} : memref<256xi32, #tpu.memory_space<vmem>>, vector<16xi32>,
    %get3A_138 = vector.shape_cast %get3A_137 : vector<16xi32> to vector<16xi32>
    %select_n3A_139 = arith.select %lt3A_74, %get3A_135, %get3A_138 : vector<16xi1>, vector<16xi32>
    %swap3A_140 = arith.constant 48 : index
    %swap3A_141 = tpu.vector_load %arg7[%swap3A_140] {strides = array<i32>} : memref<256xi32, #tpu.memory_space<vmem>>, vector<16xi32>,
    %swap3A_142 = vector.shape_cast %swap3A_141 : vector<16xi32> to vector<16xi32>
    %swap3A_143 = vector.shape_cast %select_n3A_139 : vector<16xi32> to vector<16xi32>
    tpu.vector_store %arg7[%swap3A_140], %swap3A_143 {strides = array<i32>} : memref<256xi32, #tpu.memory_space<vmem>>, vector<16xi32>,
    %get3A_144 = arith.constant 16 : index
    %get3A_145 = tpu.vector_load %arg6[%get3A_144] {strides = array<i32>} : memref<256xi32, #tpu.memory_space<vmem>>, vector<16xi32>,
    %get3A_146 = vector.shape_cast %get3A_145 : vector<16xi32> to vector<16xi32>
    %get3A_147 = arith.constant 72 : index
    %get3A_148 = tpu.vector_load %arg6[%get3A_147] {strides = array<i32>} : memref<256xi32, #tpu.memory_space<vmem>>, vector<16xi32>,
    %get3A_149 = vector.shape_cast %get3A_148 : vector<16xi32> to vector<16xi32>
    %select_n3A_150 = arith.select %lt3A_74, %get3A_146, %get3A_149 : vector<16xi1>, vector<16xi32>
    %swap3A_151 = arith.constant 64 : index
    %swap3A_152 = tpu.vector_load %arg7[%swap3A_151] {strides = array<i32>} : memref<256xi32, #tpu.memory_space<vmem>>, vector<16xi32>,
    %swap3A_153 = vector.shape_cast %swap3A_152 : vector<16xi32> to vector<16xi32>
    %swap3A_154 = vector.shape_cast %select_n3A_150 : vector<16xi32> to vector<16xi32>
    tpu.vector_store %arg7[%swap3A_151], %swap3A_154 {strides = array<i32>} : memref<256xi32, #tpu.memory_space<vmem>>, vector<16xi32>,
    %get3A_155 = arith.constant 144 : index
    %get3A_156 = tpu.vector_load %arg6[%get3A_155] {strides = array<i32>} : memref<256xi32, #tpu.memory_space<vmem>>, vector<16xi32>,
    %get3A_157 = vector.shape_cast %get3A_156 : vector<16xi32> to vector<16xi32>
    %get3A_158 = arith.constant 200 : index
    %get3A_159 = tpu.vector_load %arg6[%get3A_158] {strides = array<i32>} : memref<256xi32, #tpu.memory_space<vmem>>, vector<16xi32>,
    %get3A_160 = vector.shape_cast %get3A_159 : vector<16xi32> to vector<16xi32>
    %select_n3A_161 = arith.select %lt3A_74, %get3A_157, %get3A_160 : vector<16xi1>, vector<16xi32>
    %swap3A_162 = arith.constant 80 : index
    %swap3A_163 = tpu.vector_load %arg7[%swap3A_162] {strides = array<i32>} : memref<256xi32, #tpu.memory_space<vmem>>, vector<16xi32>,
    %swap3A_164 = vector.shape_cast %swap3A_163 : vector<16xi32> to vector<16xi32>
    %swap3A_165 = vector.shape_cast %select_n3A_161 : vector<16xi32> to vector<16xi32>
    tpu.vector_store %arg7[%swap3A_162], %swap3A_165 {strides = array<i32>} : memref<256xi32, #tpu.memory_space<vmem>>, vector<16xi32>,
    %get3A_166 = arith.constant 24 : index
    %get3A_167 = tpu.vector_load %arg6[%get3A_166] {strides = array<i32>} : memref<256xi32, #tpu.memory_space<vmem>>, vector<16xi32>,
    %get3A_168 = vector.shape_cast %get3A_167 : vector<16xi32> to vector<16xi32>
    %get3A_169 = arith.constant 80 : index
    %get3A_170 = tpu.vector_load %arg6[%get3A_169] {strides = array<i32>} : memref<256xi32, #tpu.memory_space<vmem>>, vector<16xi32>,
    %get3A_171 = vector.shape_cast %get3A_170 : vector<16xi32> to vector<16xi32>
    %select_n3A_172 = arith.select %lt3A_74, %get3A_168, %get3A_171 : vector<16xi1>, vector<16xi32>
    %swap3A_173 = arith.constant 96 : index
    %swap3A_174 = tpu.vector_load %arg7[%swap3A_173] {strides = array<i32>} : memref<256xi32, #tpu.memory_space<vmem>>, vector<16xi32>,
    %swap3A_175 = vector.shape_cast %swap3A_174 : vector<16xi32> to vector<16xi32>
    %swap3A_176 = vector.shape_cast %select_n3A_172 : vector<16xi32> to vector<16xi32>
    tpu.vector_store %arg7[%swap3A_173], %swap3A_176 {strides = array<i32>} : memref<256xi32, #tpu.memory_space<vmem>>, vector<16xi32>,
    %get3A_177 = arith.constant 152 : index
    %get3A_178 = tpu.vector_load %arg6[%get3A_177] {strides = array<i32>} : memref<256xi32, #tpu.memory_space<vmem>>, vector<16xi32>,
    %get3A_179 = vector.shape_cast %get3A_178 : vector<16xi32> to vector<16xi32>
    %get3A_180 = arith.constant 208 : index
    %get3A_181 = tpu.vector_load %arg6[%get3A_180] {strides = array<i32>} : memref<256xi32, #tpu.memory_space<vmem>>, vector<16xi32>,
    %get3A_182 = vector.shape_cast %get3A_181 : vector<16xi32> to vector<16xi32>
    %select_n3A_183 = arith.select %lt3A_74, %get3A_179, %get3A_182 : vector<16xi1>, vector<16xi32>
    %swap3A_184 = arith.constant 112 : index
    %swap3A_185 = tpu.vector_load %arg7[%swap3A_184] {strides = array<i32>} : memref<256xi32, #tpu.memory_space<vmem>>, vector<16xi32>,
    %swap3A_186 = vector.shape_cast %swap3A_185 : vector<16xi32> to vector<16xi32>
    %swap3A_187 = vector.shape_cast %select_n3A_183 : vector<16xi32> to vector<16xi32>
    tpu.vector_store %arg7[%swap3A_184], %swap3A_187 {strides = array<i32>} : memref<256xi32, #tpu.memory_space<vmem>>, vector<16xi32>,
    %get3A_188 = arith.constant 32 : index
    %get3A_189 = tpu.vector_load %arg6[%get3A_188] {strides = array<i32>} : memref<256xi32, #tpu.memory_space<vmem>>, vector<16xi32>,
    %get3A_190 = vector.shape_cast %get3A_189 : vector<16xi32> to vector<16xi32>
    %get3A_191 = arith.constant 88 : index
    %get3A_192 = tpu.vector_load %arg6[%get3A_191] {strides = array<i32>} : memref<256xi32, #tpu.memory_space<vmem>>, vector<16xi32>,
    %get3A_193 = vector.shape_cast %get3A_192 : vector<16xi32> to vector<16xi32>
    %select_n3A_194 = arith.select %lt3A_74, %get3A_190, %get3A_193 : vector<16xi1>, vector<16xi32>
    %swap3A_195 = arith.constant 128 : index
    %swap3A_196 = tpu.vector_load %arg7[%swap3A_195] {strides = array<i32>} : memref<256xi32, #tpu.memory_space<vmem>>, vector<16xi32>,
    %swap3A_197 = vector.shape_cast %swap3A_196 : vector<16xi32> to vector<16xi32>
    %swap3A_198 = vector.shape_cast %select_n3A_194 : vector<16xi32> to vector<16xi32>
    tpu.vector_store %arg7[%swap3A_195], %swap3A_198 {strides = array<i32>} : memref<256xi32, #tpu.memory_space<vmem>>, vector<16xi32>,
    %get3A_199 = arith.constant 160 : index
    %get3A_200 = tpu.vector_load %arg6[%get3A_199] {strides = array<i32>} : memref<256xi32, #tpu.memory_space<vmem>>, vector<16xi32>,
    %get3A_201 = vector.shape_cast %get3A_200 : vector<16xi32> to vector<16xi32>
    %get3A_202 = arith.constant 216 : index
    %get3A_203 = tpu.vector_load %arg6[%get3A_202] {strides = array<i32>} : memref<256xi32, #tpu.memory_space<vmem>>, vector<16xi32>,
    %get3A_204 = vector.shape_cast %get3A_203 : vector<16xi32> to vector<16xi32>
    %select_n3A_205 = arith.select %lt3A_74, %get3A_201, %get3A_204 : vector<16xi1>, vector<16xi32>
    %swap3A_206 = arith.constant 144 : index
    %swap3A_207 = tpu.vector_load %arg7[%swap3A_206] {strides = array<i32>} : memref<256xi32, #tpu.memory_space<vmem>>, vector<16xi32>,
    %swap3A_208 = vector.shape_cast %swap3A_207 : vector<16xi32> to vector<16xi32>
    %swap3A_209 = vector.shape_cast %select_n3A_205 : vector<16xi32> to vector<16xi32>
    tpu.vector_store %arg7[%swap3A_206], %swap3A_209 {strides = array<i32>} : memref<256xi32, #tpu.memory_space<vmem>>, vector<16xi32>,
    %get3A_210 = arith.constant 40 : index
    %get3A_211 = tpu.vector_load %arg6[%get3A_210] {strides = array<i32>} : memref<256xi32, #tpu.memory_space<vmem>>, vector<16xi32>,
    %get3A_212 = vector.shape_cast %get3A_211 : vector<16xi32> to vector<16xi32>
    %get3A_213 = arith.constant 96 : index
    %get3A_214 = tpu.vector_load %arg6[%get3A_213] {strides = array<i32>} : memref<256xi32, #tpu.memory_space<vmem>>, vector<16xi32>,
    %get3A_215 = vector.shape_cast %get3A_214 : vector<16xi32> to vector<16xi32>
    %select_n3A_216 = arith.select %lt3A_74, %get3A_212, %get3A_215 : vector<16xi1>, vector<16xi32>
    %swap3A_217 = arith.constant 160 : index
    %swap3A_218 = tpu.vector_load %arg7[%swap3A_217] {strides = array<i32>} : memref<256xi32, #tpu.memory_space<vmem>>, vector<16xi32>,
    %swap3A_219 = vector.shape_cast %swap3A_218 : vector<16xi32> to vector<16xi32>
    %swap3A_220 = vector.shape_cast %select_n3A_216 : vector<16xi32> to vector<16xi32>
    tpu.vector_store %arg7[%swap3A_217], %swap3A_220 {strides = array<i32>} : memref<256xi32, #tpu.memory_space<vmem>>, vector<16xi32>,
    %get3A_221 = arith.constant 168 : index
    %get3A_222 = tpu.vector_load %arg6[%get3A_221] {strides = array<i32>} : memref<256xi32, #tpu.memory_space<vmem>>, vector<16xi32>,
    %get3A_223 = vector.shape_cast %get3A_222 : vector<16xi32> to vector<16xi32>
    %get3A_224 = arith.constant 224 : index
    %get3A_225 = tpu.vector_load %arg6[%get3A_224] {strides = array<i32>} : memref<256xi32, #tpu.memory_space<vmem>>, vector<16xi32>,
    %get3A_226 = vector.shape_cast %get3A_225 : vector<16xi32> to vector<16xi32>
    %select_n3A_227 = arith.select %lt3A_74, %get3A_223, %get3A_226 : vector<16xi1>, vector<16xi32>
    %swap3A_228 = arith.constant 176 : index
    %swap3A_229 = tpu.vector_load %arg7[%swap3A_228] {strides = array<i32>} : memref<256xi32, #tpu.memory_space<vmem>>, vector<16xi32>,
    %swap3A_230 = vector.shape_cast %swap3A_229 : vector<16xi32> to vector<16xi32>
    %swap3A_231 = vector.shape_cast %select_n3A_227 : vector<16xi32> to vector<16xi32>
    tpu.vector_store %arg7[%swap3A_228], %swap3A_231 {strides = array<i32>} : memref<256xi32, #tpu.memory_space<vmem>>, vector<16xi32>,
    %get3A_232 = arith.constant 48 : index
    %get3A_233 = tpu.vector_load %arg6[%get3A_232] {strides = array<i32>} : memref<256xi32, #tpu.memory_space<vmem>>, vector<16xi32>,
    %get3A_234 = vector.shape_cast %get3A_233 : vector<16xi32> to vector<16xi32>
    %get3A_235 = arith.constant 104 : index
    %get3A_236 = tpu.vector_load %arg6[%get3A_235] {strides = array<i32>} : memref<256xi32, #tpu.memory_space<vmem>>, vector<16xi32>,
    %get3A_237 = vector.shape_cast %get3A_236 : vector<16xi32> to vector<16xi32>
    %select_n3A_238 = arith.select %lt3A_74, %get3A_234, %get3A_237 : vector<16xi1>, vector<16xi32>
    %swap3A_239 = arith.constant 192 : index
    %swap3A_240 = tpu.vector_load %arg7[%swap3A_239] {strides = array<i32>} : memref<256xi32, #tpu.memory_space<vmem>>, vector<16xi32>,
    %swap3A_241 = vector.shape_cast %swap3A_240 : vector<16xi32> to vector<16xi32>
    %swap3A_242 = vector.shape_cast %select_n3A_238 : vector<16xi32> to vector<16xi32>
    tpu.vector_store %arg7[%swap3A_239], %swap3A_242 {strides = array<i32>} : memref<256xi32, #tpu.memory_space<vmem>>, vector<16xi32>,
    %get3A_243 = arith.constant 176 : index
    %get3A_244 = tpu.vector_load %arg6[%get3A_243] {strides = array<i32>} : memref<256xi32, #tpu.memory_space<vmem>>, vector<16xi32>,
    %get3A_245 = vector.shape_cast %get3A_244 : vector<16xi32> to vector<16xi32>
    %get3A_246 = arith.constant 232 : index
    %get3A_247 = tpu.vector_load %arg6[%get3A_246] {strides = array<i32>} : memref<256xi32, #tpu.memory_space<vmem>>, vector<16xi32>,
    %get3A_248 = vector.shape_cast %get3A_247 : vector<16xi32> to vector<16xi32>
    %select_n3A_249 = arith.select %lt3A_74, %get3A_245, %get3A_248 : vector<16xi1>, vector<16xi32>
    %swap3A_250 = arith.constant 208 : index
    %swap3A_251 = tpu.vector_load %arg7[%swap3A_250] {strides = array<i32>} : memref<256xi32, #tpu.memory_space<vmem>>, vector<16xi32>,
    %swap3A_252 = vector.shape_cast %swap3A_251 : vector<16xi32> to vector<16xi32>
    %swap3A_253 = vector.shape_cast %select_n3A_249 : vector<16xi32> to vector<16xi32>
    tpu.vector_store %arg7[%swap3A_250], %swap3A_253 {strides = array<i32>} : memref<256xi32, #tpu.memory_space<vmem>>, vector<16xi32>,
    %get3A_254 = arith.constant 56 : index
    %get3A_255 = tpu.vector_load %arg6[%get3A_254] {strides = array<i32>} : memref<256xi32, #tpu.memory_space<vmem>>, vector<16xi32>,
    %get3A_256 = vector.shape_cast %get3A_255 : vector<16xi32> to vector<16xi32>
    %get3A_257 = arith.constant 112 : index
    %get3A_258 = tpu.vector_load %arg6[%get3A_257] {strides = array<i32>} : memref<256xi32, #tpu.memory_space<vmem>>, vector<16xi32>,
    %get3A_259 = vector.shape_cast %get3A_258 : vector<16xi32> to vector<16xi32>
    %select_n3A_260 = arith.select %lt3A_74, %get3A_256, %get3A_259 : vector<16xi1>, vector<16xi32>
    %swap3A_261 = arith.constant 224 : index
    %swap3A_262 = tpu.vector_load %arg7[%swap3A_261] {strides = array<i32>} : memref<256xi32, #tpu.memory_space<vmem>>, vector<16xi32>,
    %swap3A_263 = vector.shape_cast %swap3A_262 : vector<16xi32> to vector<16xi32>
    %swap3A_264 = vector.shape_cast %select_n3A_260 : vector<16xi32> to vector<16xi32>
    tpu.vector_store %arg7[%swap3A_261], %swap3A_264 {strides = array<i32>} : memref<256xi32, #tpu.memory_space<vmem>>, vector<16xi32>,
    %get3A_265 = arith.constant 184 : index
    %get3A_266 = tpu.vector_load %arg6[%get3A_265] {strides = array<i32>} : memref<256xi32, #tpu.memory_space<vmem>>, vector<16xi32>,
    %get3A_267 = vector.shape_cast %get3A_266 : vector<16xi32> to vector<16xi32>
    %get3A_268 = arith.constant 240 : index
    %get3A_269 = tpu.vector_load %arg6[%get3A_268] {strides = array<i32>} : memref<256xi32, #tpu.memory_space<vmem>>, vector<16xi32>,
    %get3A_270 = vector.shape_cast %get3A_269 : vector<16xi32> to vector<16xi32>
    %select_n3A_271 = arith.select %lt3A_74, %get3A_267, %get3A_270 : vector<16xi1>, vector<16xi32>
    %swap3A_272 = arith.constant 240 : index
    %swap3A_273 = tpu.vector_load %arg7[%swap3A_272] {strides = array<i32>} : memref<256xi32, #tpu.memory_space<vmem>>, vector<16xi32>,
    %swap3A_274 = vector.shape_cast %swap3A_273 : vector<16xi32> to vector<16xi32>
    %swap3A_275 = vector.shape_cast %select_n3A_271 : vector<16xi32> to vector<16xi32>
    tpu.vector_store %arg7[%swap3A_272], %swap3A_275 {strides = array<i32>} : memref<256xi32, #tpu.memory_space<vmem>>, vector<16xi32>,
    %scan3A = arith.constant 0 : i32
    %scan3A_276 = arith.constant 0 : i32
    %scan3A_277 = arith.constant 8 : i32
    %scan3A_278 = arith.addi %scan3A_276, %scan3A_277 : i32
    %scan3A_279 = arith.constant 1 : i32
    scf.for %scan3A_335 = %scan3A_276 to %scan3A_278 step %scan3A_279  : i32 {
      %jit3A = arith.constant 3 : i32
      %eq3A = arith.constant 0 : i32
      %eq3A_336 = arith.cmpi eq, %jit3A, %eq3A : i32
      %jit3A_337 = arith.constant 1 : i32
      %select_n3A_338 = arith.select %eq3A_336, %jit3A_337, %jit3A : i32
      %rem3A = arith.remsi %scan3A_335, %select_n3A_338 : i32
      %ne3A = arith.constant 0 : i32
      %ne3A_339 = arith.cmpi ne, %rem3A, %ne3A : i32
      %lt3A_340 = arith.constant 0 : i32
      %lt3A_341 = arith.cmpi slt, %rem3A, %lt3A_340 : i32
      %lt3A_342 = arith.constant 0 : i32
      %lt3A_343 = arith.cmpi slt, %select_n3A_338, %lt3A_342 : i32
      %ne3A_344 = arith.xori %lt3A_341, %lt3A_343 : i1
      %and3A = arith.andi %ne3A_344, %ne3A_339 : i1
      %add3A_345 = arith.addi %rem3A, %select_n3A_338 : i32
      %select_n3A_346 = arith.select %and3A, %add3A_345, %rem3A : i32
      %jit3A_347 = arith.constant 2 : i32
      %eq3A_348 = arith.constant 0 : i32
      %eq3A_349 = arith.cmpi eq, %jit3A_347, %eq3A_348 : i32
      %jit3A_350 = arith.constant 1 : i32
      %select_n3A_351 = arith.select %eq3A_349, %jit3A_350, %jit3A_347 : i32
      %rem3A_352 = arith.remsi %scan3A_335, %select_n3A_351 : i32
      %ne3A_353 = arith.constant 0 : i32
      %ne3A_354 = arith.cmpi ne, %rem3A_352, %ne3A_353 : i32
      %lt3A_355 = arith.constant 0 : i32
      %lt3A_356 = arith.cmpi slt, %rem3A_352, %lt3A_355 : i32
      %lt3A_357 = arith.constant 0 : i32
      %lt3A_358 = arith.cmpi slt, %select_n3A_351, %lt3A_357 : i32
      %ne3A_359 = arith.xori %lt3A_356, %lt3A_358 : i1
      %and3A_360 = arith.andi %ne3A_359, %ne3A_354 : i1
      %add3A_361 = arith.addi %rem3A_352, %select_n3A_351 : i32
      %select_n3A_362 = arith.select %and3A_360, %add3A_361, %rem3A_352 : i32
      %add3A_363 = arith.constant 1 : i32
      %add3A_364 = arith.addi %scan3A_335, %add3A_363 : i32
      %lt3A_365 = arith.constant 8 : i32
      %lt3A_366 = arith.cmpi slt, %add3A_364, %lt3A_365 : i32
      %convert_element_type3A = arith.extui %lt3A_366 : i1 to i32
      %cond3A = arith.constant 0 : i32
      %cond3A_367 = arith.cmpi ne, %convert_element_type3A, %cond3A : i32
      scf.if %cond3A_367 {
        %ge3A = arith.constant 2 : i32
        %ge3A_475 = arith.cmpi sge, %scan3A_335, %ge3A : i32
        %convert_element_type3A_476 = arith.extui %ge3A_475 : i1 to i32
        %cond3A_477 = arith.constant 0 : i32
        %cond3A_478 = arith.cmpi ne, %convert_element_type3A_476, %cond3A_477 : i32
        scf.if %cond3A_478 {
          %dma_wait3A_544 = arith.constant 0 : i32
          %dma_wait3A_545 = arith.constant 0 : i32
          %dma_wait3A_546 = arith.constant 0 : i32
          %dma_wait3A_547 = arith.constant 0 : i32
          %dma_wait3A_548 = tpu.memref_slice %arg9[%dma_wait3A_544, %dma_wait3A_546, %dma_wait3A_547] : memref<3x32x1024xf32, #tpu.memory_space<vmem>> -> memref<1x32x1024xf32, #tpu.memory_space<vmem>>
          %dma_wait3A_549 = tpu.memref_squeeze %dma_wait3A_548 : memref<1x32x1024xf32, #tpu.memory_space<vmem>> -> memref<32x1024xf32, #tpu.memory_space<vmem>>
          %dma_wait3A_550 = arith.constant 0 : i32
          %dma_wait3A_551 = arith.constant 0 : i32
          %dma_wait3A_552 = tpu.memref_slice %arg5[%dma_wait3A_545, %dma_wait3A_550, %dma_wait3A_551] : memref<4x2048x1024xf32, #tpu.memory_space<hbm>> -> memref<1x32x1024xf32, #tpu.memory_space<hbm>>
          %dma_wait3A_553 = tpu.memref_squeeze %dma_wait3A_552 : memref<1x32x1024xf32, #tpu.memory_space<hbm>> -> memref<32x1024xf32, #tpu.memory_space<hbm>>
          %dma_wait3A_554 = arith.constant 0 : i32
          %dma_wait3A_555 = arith.constant 0 : i32
          %dma_wait3A_556 = tpu.memref_slice %arg5[%dma_wait3A_545, %dma_wait3A_554, %dma_wait3A_555] : memref<4x2048x1024xf32, #tpu.memory_space<hbm>> -> memref<1x32x1024xf32, #tpu.memory_space<hbm>>
          %dma_wait3A_557 = tpu.memref_squeeze %dma_wait3A_556 : memref<1x32x1024xf32, #tpu.memory_space<hbm>> -> memref<32x1024xf32, #tpu.memory_space<hbm>>
          %dma_wait3A_558 = arith.constant 0 : i32
          %dma_wait3A_559 = arith.constant 0 : i32
          %dma_wait3A_560 = tpu.memref_slice %arg9[%dma_wait3A_544, %dma_wait3A_558, %dma_wait3A_559] : memref<3x32x1024xf32, #tpu.memory_space<vmem>> -> memref<1x32x1024xf32, #tpu.memory_space<vmem>>
          %dma_wait3A_561 = tpu.memref_squeeze %dma_wait3A_560 : memref<1x32x1024xf32, #tpu.memory_space<vmem>> -> memref<32x1024xf32, #tpu.memory_space<vmem>>
          tpu.wait_dma2 semaphore(%arg11 : memref<!tpu.dma_semaphore, #tpu.memory_space<semaphore_mem>>) src(%dma_wait3A_561 : memref<32x1024xf32, #tpu.memory_space<vmem>>) dst(%dma_wait3A_557 : memref<32x1024xf32, #tpu.memory_space<hbm>>)
        } else {
        }
        %add3A_479 = arith.constant 1 : i32
        %add3A_480 = arith.addi %scan3A_335, %add3A_479 : i32
        %mul3A_481 = arith.constant 32 : i32
        %mul3A_482 = arith.muli %add3A_480, %mul3A_481 : i32
        %multiple_of3A_483 = tpu.assume_multiple %mul3A_482, 8 : i32
        %jit3A_484 = arith.constant 3 : i32
        %eq3A_485 = arith.constant 0 : i32
        %eq3A_486 = arith.cmpi eq, %jit3A_484, %eq3A_485 : i32
        %jit3A_487 = arith.constant 1 : i32
        %select_n3A_488 = arith.select %eq3A_486, %jit3A_487, %jit3A_484 : i32
        %rem3A_489 = arith.remsi %add3A_480, %select_n3A_488 : i32
        %ne3A_490 = arith.constant 0 : i32
        %ne3A_491 = arith.cmpi ne, %rem3A_489, %ne3A_490 : i32
        %lt3A_492 = arith.constant 0 : i32
        %lt3A_493 = arith.cmpi slt, %rem3A_489, %lt3A_492 : i32
        %lt3A_494 = arith.constant 0 : i32
        %lt3A_495 = arith.cmpi slt, %select_n3A_488, %lt3A_494 : i32
        %ne3A_496 = arith.xori %lt3A_493, %lt3A_495 : i1
        %and3A_497 = arith.andi %ne3A_496, %ne3A_491 : i1
        %add3A_498 = arith.addi %rem3A_489, %select_n3A_488 : i32
        %select_n3A_499 = arith.select %and3A_497, %add3A_498, %rem3A_489 : i32
        %dma_start3A_500 = arith.constant 0 : i32
        %dma_start3A_501 = arith.constant 0 : i32
        %dma_start3A_502 = tpu.memref_slice %arg9[%select_n3A_499, %dma_start3A_500, %dma_start3A_501] : memref<3x32x1024xf32, #tpu.memory_space<vmem>> -> memref<1x32x1024xf32, #tpu.memory_space<vmem>>
        %dma_start3A_503 = tpu.memref_squeeze %dma_start3A_502 : memref<1x32x1024xf32, #tpu.memory_space<vmem>> -> memref<32x1024xf32, #tpu.memory_space<vmem>>
        %dma_start3A_504 = tpu.memref_slice %arg7[%multiple_of3A_483] : memref<256xi32, #tpu.memory_space<vmem>> -> memref<32xi32, #tpu.memory_space<vmem>>
        %dma_start3A_505 = arith.constant 0 : i32
        %dma_start3A_506 = arith.constant 0 : i32
        %dma_start3A_507 = tpu.memref_slice %arg3[%dma_start3A_505, %dma_start3A_506] : memref<100000x1024xf32, #tpu.memory_space<hbm>> -> memref<100000x1024xf32, #tpu.memory_space<hbm>>
        tpu.enqueue_indirect_dma source(%dma_start3A_507 : memref<100000x1024xf32, #tpu.memory_space<hbm>>) target(%dma_start3A_503 : memref<32x1024xf32, #tpu.memory_space<vmem>>) offsets(%dma_start3A_504 : memref<32xi32, #tpu.memory_space<vmem>>) semaphore(%arg10 : memref<!tpu.dma_semaphore, #tpu.memory_space<semaphore_mem>>)
        %add3A_508 = arith.constant 1 : i32
        %add3A_509 = arith.addi %scan3A_335, %add3A_508 : i32
        %mul3A_510 = arith.constant 8 : i32
        %mul3A_511 = arith.muli %add3A_509, %mul3A_510 : i32
        %add3A_512 = arith.addi %mul3A_2, %mul3A_511 : i32
        %jit3A_513 = arith.constant 2 : i32
        %eq3A_514 = arith.constant 0 : i32
        %eq3A_515 = arith.cmpi eq, %jit3A_513, %eq3A_514 : i32
        %jit3A_516 = arith.constant 1 : i32
        %select_n3A_517 = arith.select %eq3A_515, %jit3A_516, %jit3A_513 : i32
        %rem3A_518 = arith.remsi %add3A_509, %select_n3A_517 : i32
        %ne3A_519 = arith.constant 0 : i32
        %ne3A_520 = arith.cmpi ne, %rem3A_518, %ne3A_519 : i32
        %lt3A_521 = arith.constant 0 : i32
        %lt3A_522 = arith.cmpi slt, %rem3A_518, %lt3A_521 : i32
        %lt3A_523 = arith.constant 0 : i32
        %lt3A_524 = arith.cmpi slt, %select_n3A_517, %lt3A_523 : i32
        %ne3A_525 = arith.xori %lt3A_522, %lt3A_524 : i1
        %and3A_526 = arith.andi %ne3A_525, %ne3A_520 : i1
        %add3A_527 = arith.addi %rem3A_518, %select_n3A_517 : i32
        %select_n3A_528 = arith.select %and3A_526, %add3A_527, %rem3A_518 : i32
        %dma_start3A_529 = arith.constant 0 : i32
        %dma_start3A_530 = arith.constant 0 : i32
        %dma_start3A_531 = arith.constant 0 : i32
        %dma_start3A_532 = tpu.memref_slice %arg8[%select_n3A_528, %dma_start3A_530, %dma_start3A_531] : memref<2x8x1024xf32, #tpu.memory_space<vmem>> -> memref<1x8x1024xf32, #tpu.memory_space<vmem>>
        %dma_start3A_533 = tpu.memref_squeeze %dma_start3A_532 : memref<1x8x1024xf32, #tpu.memory_space<vmem>> -> memref<8x1024xf32, #tpu.memory_space<vmem>>
        %dma_start3A_534 = arith.constant 0 : i32
        %dma_start3A_535 = tpu.memref_slice %arg4[%dma_start3A_529, %add3A_512, %dma_start3A_534] : memref<1x2048x1024xf32, #tpu.memory_space<hbm>> -> memref<1x8x1024xf32, #tpu.memory_space<hbm>>
        %dma_start3A_536 = tpu.memref_squeeze %dma_start3A_535 : memref<1x8x1024xf32, #tpu.memory_space<hbm>> -> memref<8x1024xf32, #tpu.memory_space<hbm>>
        %dma_start3A_537 = arith.constant 0 : i32
        %dma_start3A_538 = arith.constant 0 : i32
        %dma_start3A_539 = tpu.memref_slice %arg8[%select_n3A_528, %dma_start3A_537, %dma_start3A_538] : memref<2x8x1024xf32, #tpu.memory_space<vmem>> -> memref<1x8x1024xf32, #tpu.memory_space<vmem>>
        %dma_start3A_540 = tpu.memref_squeeze %dma_start3A_539 : memref<1x8x1024xf32, #tpu.memory_space<vmem>> -> memref<8x1024xf32, #tpu.memory_space<vmem>>
        %dma_start3A_541 = arith.constant 0 : i32
        %dma_start3A_542 = tpu.memref_slice %arg4[%dma_start3A_529, %add3A_512, %dma_start3A_541] : memref<1x2048x1024xf32, #tpu.memory_space<hbm>> -> memref<1x8x1024xf32, #tpu.memory_space<hbm>>
        %dma_start3A_543 = tpu.memref_squeeze %dma_start3A_542 : memref<1x8x1024xf32, #tpu.memory_space<hbm>> -> memref<8x1024xf32, #tpu.memory_space<hbm>>
        tpu.enqueue_dma source(%dma_start3A_543 : memref<8x1024xf32, #tpu.memory_space<hbm>>) target(%dma_start3A_540 : memref<8x1024xf32, #tpu.memory_space<vmem>>) target_semaphore(%arg12 : memref<!tpu.dma_semaphore, #tpu.memory_space<semaphore_mem>>)
      } else {
      }
      %dma_wait3A_368 = arith.constant 0 : i32
      %dma_wait3A_369 = arith.constant 0 : i32
      %dma_wait3A_370 = arith.constant 0 : i32
      %dma_wait3A_371 = tpu.memref_slice %arg9[%dma_wait3A_368, %dma_wait3A_369, %dma_wait3A_370] : memref<3x32x1024xf32, #tpu.memory_space<vmem>> -> memref<1x32x1024xf32, #tpu.memory_space<vmem>>
      %dma_wait3A_372 = tpu.memref_squeeze %dma_wait3A_371 : memref<1x32x1024xf32, #tpu.memory_space<vmem>> -> memref<32x1024xf32, #tpu.memory_space<vmem>>
      %dma_wait3A_373 = arith.constant 0 : i32
      %dma_wait3A_374 = arith.constant 0 : i32
      %dma_wait3A_375 = tpu.memref_slice %arg3[%dma_wait3A_373, %dma_wait3A_374] : memref<100000x1024xf32, #tpu.memory_space<hbm>> -> memref<32x1024xf32, #tpu.memory_space<hbm>>
      %dma_wait3A_376 = arith.constant 0 : i32
      %dma_wait3A_377 = arith.constant 0 : i32
      %dma_wait3A_378 = tpu.memref_slice %arg9[%dma_wait3A_368, %dma_wait3A_376, %dma_wait3A_377] : memref<3x32x1024xf32, #tpu.memory_space<vmem>> -> memref<1x32x1024xf32, #tpu.memory_space<vmem>>
      %dma_wait3A_379 = tpu.memref_squeeze %dma_wait3A_378 : memref<1x32x1024xf32, #tpu.memory_space<vmem>> -> memref<32x1024xf32, #tpu.memory_space<vmem>>
      %dma_wait3A_380 = arith.constant 0 : i32
      %dma_wait3A_381 = arith.constant 0 : i32
      %dma_wait3A_382 = tpu.memref_slice %arg3[%dma_wait3A_380, %dma_wait3A_381] : memref<100000x1024xf32, #tpu.memory_space<hbm>> -> memref<32x1024xf32, #tpu.memory_space<hbm>>
      tpu.wait_dma2 semaphore(%arg10 : memref<!tpu.dma_semaphore, #tpu.memory_space<semaphore_mem>>) src(%dma_wait3A_382 : memref<32x1024xf32, #tpu.memory_space<hbm>>) dst(%dma_wait3A_379 : memref<32x1024xf32, #tpu.memory_space<vmem>>)
      %dma_wait3A_383 = arith.constant 0 : i32
      %dma_wait3A_384 = arith.constant 0 : i32
      %dma_wait3A_385 = arith.constant 0 : i32
      %dma_wait3A_386 = arith.constant 0 : i32
      %dma_wait3A_387 = tpu.memref_slice %arg8[%dma_wait3A_384, %dma_wait3A_385, %dma_wait3A_386] : memref<2x8x1024xf32, #tpu.memory_space<vmem>> -> memref<1x8x1024xf32, #tpu.memory_space<vmem>>
      %dma_wait3A_388 = tpu.memref_squeeze %dma_wait3A_387 : memref<1x8x1024xf32, #tpu.memory_space<vmem>> -> memref<8x1024xf32, #tpu.memory_space<vmem>>
      %dma_wait3A_389 = arith.constant 0 : i32
      %dma_wait3A_390 = arith.constant 0 : i32
      %dma_wait3A_391 = tpu.memref_slice %arg4[%dma_wait3A_383, %dma_wait3A_389, %dma_wait3A_390] : memref<1x2048x1024xf32, #tpu.memory_space<hbm>> -> memref<1x8x1024xf32, #tpu.memory_space<hbm>>
      %dma_wait3A_392 = tpu.memref_squeeze %dma_wait3A_391 : memref<1x8x1024xf32, #tpu.memory_space<hbm>> -> memref<8x1024xf32, #tpu.memory_space<hbm>>
      %dma_wait3A_393 = arith.constant 0 : i32
      %dma_wait3A_394 = arith.constant 0 : i32
      %dma_wait3A_395 = tpu.memref_slice %arg8[%dma_wait3A_384, %dma_wait3A_393, %dma_wait3A_394] : memref<2x8x1024xf32, #tpu.memory_space<vmem>> -> memref<1x8x1024xf32, #tpu.memory_space<vmem>>
      %dma_wait3A_396 = tpu.memref_squeeze %dma_wait3A_395 : memref<1x8x1024xf32, #tpu.memory_space<vmem>> -> memref<8x1024xf32, #tpu.memory_space<vmem>>
      %dma_wait3A_397 = arith.constant 0 : i32
      %dma_wait3A_398 = arith.constant 0 : i32
      %dma_wait3A_399 = tpu.memref_slice %arg4[%dma_wait3A_383, %dma_wait3A_397, %dma_wait3A_398] : memref<1x2048x1024xf32, #tpu.memory_space<hbm>> -> memref<1x8x1024xf32, #tpu.memory_space<hbm>>
      %dma_wait3A_400 = tpu.memref_squeeze %dma_wait3A_399 : memref<1x8x1024xf32, #tpu.memory_space<hbm>> -> memref<8x1024xf32, #tpu.memory_space<hbm>>
      tpu.wait_dma2 semaphore(%arg12 : memref<!tpu.dma_semaphore, #tpu.memory_space<semaphore_mem>>) src(%dma_wait3A_400 : memref<8x1024xf32, #tpu.memory_space<hbm>>) dst(%dma_wait3A_396 : memref<8x1024xf32, #tpu.memory_space<vmem>>)
      %parallel_loop3A = arith.constant 0 : i32
      %parallel_loop3A_401 = arith.constant 8 : i32
      %parallel_loop3A_402 = arith.constant 1 : i32
      scf.for %parallel_loop3A_475 = %parallel_loop3A to %parallel_loop3A_401 step %parallel_loop3A_402  : i32 {
        %parallel_loop3A_476 = arith.constant 0 : i32
        %parallel_loop3A_477 = arith.constant 64 : i32
        %parallel_loop3A_478 = arith.constant 1 : i32
        scf.for %parallel_loop3A_479 = %parallel_loop3A_476 to %parallel_loop3A_477 step %parallel_loop3A_478  : i32 {
          %parallel_loop3A_480 = arith.constant 16 : i32
          %parallel_loop3A_481 = arith.muli %parallel_loop3A_479, %parallel_loop3A_480 : i32
          %parallel_loop3A_482 = arith.index_cast %select_n3A_362 : i32 to index
          %parallel_loop3A_483 = arith.index_cast %parallel_loop3A_475 : i32 to index
          %parallel_loop3A_484 = arith.index_cast %parallel_loop3A_481 : i32 to index
          %parallel_loop3A_485 = tpu.vector_load %arg8[%parallel_loop3A_482, %parallel_loop3A_483, %parallel_loop3A_484] {strides = array<i32>} : memref<2x8x1024xf32, #tpu.memory_space<vmem>>, vector<1x1x16xf32>,
          %parallel_loop3A_486 = vector.shape_cast %parallel_loop3A_485 : vector<1x1x16xf32> to vector<16xf32>
          %parallel_loop3A_487 = arith.constant 0 : i32
          %parallel_loop3A_488 = arith.addi %parallel_loop3A_487, %parallel_loop3A_475 : i32
          %parallel_loop3A_489 = arith.index_cast %select_n3A_346 : i32 to index
          %parallel_loop3A_490 = arith.index_cast %parallel_loop3A_488 : i32 to index
          %parallel_loop3A_491 = arith.index_cast %parallel_loop3A_481 : i32 to index
          %parallel_loop3A_492 = tpu.vector_load %arg9[%parallel_loop3A_489, %parallel_loop3A_490, %parallel_loop3A_491] {strides = array<i32>} : memref<3x32x1024xf32, #tpu.memory_space<vmem>>, vector<1x1x16xf32>,
          %parallel_loop3A_493 = vector.shape_cast %parallel_loop3A_492 : vector<1x1x16xf32> to vector<16xf32>
          %parallel_loop3A_494 = arith.constant 3.200000e+01 : f32
          %parallel_loop3A_495 = vector.broadcast %parallel_loop3A_494 : f32 to vector<16xf32>
          %parallel_loop3A_496 = arith.mulf %parallel_loop3A_493, %parallel_loop3A_495 : vector<16xf32>
          %parallel_loop3A_497 = arith.addf %parallel_loop3A_496, %parallel_loop3A_486 : vector<16xf32>
          %parallel_loop3A_498 = arith.index_cast %select_n3A_346 : i32 to index
          %parallel_loop3A_499 = arith.index_cast %parallel_loop3A_488 : i32 to index
          %parallel_loop3A_500 = arith.index_cast %parallel_loop3A_481 : i32 to index
          %parallel_loop3A_501 = tpu.vector_load %arg9[%parallel_loop3A_498, %parallel_loop3A_499, %parallel_loop3A_500] {strides = array<i32>} : memref<3x32x1024xf32, #tpu.memory_space<vmem>>, vector<1x1x16xf32>,
          %parallel_loop3A_502 = vector.shape_cast %parallel_loop3A_501 : vector<1x1x16xf32> to vector<16xf32>
          %parallel_loop3A_503 = vector.shape_cast %parallel_loop3A_497 : vector<16xf32> to vector<1x1x16xf32>
          tpu.vector_store %arg9[%parallel_loop3A_498, %parallel_loop3A_499, %parallel_loop3A_500], %parallel_loop3A_503 {strides = array<i32>} : memref<3x32x1024xf32, #tpu.memory_space<vmem>>, vector<1x1x16xf32>,
          %parallel_loop3A_504 = arith.constant 8 : i32
          %parallel_loop3A_505 = arith.addi %parallel_loop3A_504, %parallel_loop3A_475 : i32
          %parallel_loop3A_506 = arith.index_cast %select_n3A_346 : i32 to index
          %parallel_loop3A_507 = arith.index_cast %parallel_loop3A_505 : i32 to index
          %parallel_loop3A_508 = arith.index_cast %parallel_loop3A_481 : i32 to index
          %parallel_loop3A_509 = tpu.vector_load %arg9[%parallel_loop3A_506, %parallel_loop3A_507, %parallel_loop3A_508] {strides = array<i32>} : memref<3x32x1024xf32, #tpu.memory_space<vmem>>, vector<1x1x16xf32>,
          %parallel_loop3A_510 = vector.shape_cast %parallel_loop3A_509 : vector<1x1x16xf32> to vector<16xf32>
          %parallel_loop3A_511 = arith.constant 3.200000e+01 : f32
          %parallel_loop3A_512 = vector.broadcast %parallel_loop3A_511 : f32 to vector<16xf32>
          %parallel_loop3A_513 = arith.mulf %parallel_loop3A_510, %parallel_loop3A_512 : vector<16xf32>
          %parallel_loop3A_514 = arith.addf %parallel_loop3A_513, %parallel_loop3A_486 : vector<16xf32>
          %parallel_loop3A_515 = arith.index_cast %select_n3A_346 : i32 to index
          %parallel_loop3A_516 = arith.index_cast %parallel_loop3A_505 : i32 to index
          %parallel_loop3A_517 = arith.index_cast %parallel_loop3A_481 : i32 to index
          %parallel_loop3A_518 = tpu.vector_load %arg9[%parallel_loop3A_515, %parallel_loop3A_516, %parallel_loop3A_517] {strides = array<i32>} : memref<3x32x1024xf32, #tpu.memory_space<vmem>>, vector<1x1x16xf32>,
          %parallel_loop3A_519 = vector.shape_cast %parallel_loop3A_518 : vector<1x1x16xf32> to vector<16xf32>
          %parallel_loop3A_520 = vector.shape_cast %parallel_loop3A_514 : vector<16xf32> to vector<1x1x16xf32>
          tpu.vector_store %arg9[%parallel_loop3A_515, %parallel_loop3A_516, %parallel_loop3A_517], %parallel_loop3A_520 {strides = array<i32>} : memref<3x32x1024xf32, #tpu.memory_space<vmem>>, vector<1x1x16xf32>,
          %parallel_loop3A_521 = arith.constant 16 : i32
          %parallel_loop3A_522 = arith.addi %parallel_loop3A_521, %parallel_loop3A_475 : i32
          %parallel_loop3A_523 = arith.index_cast %select_n3A_346 : i32 to index
          %parallel_loop3A_524 = arith.index_cast %parallel_loop3A_522 : i32 to index
          %parallel_loop3A_525 = arith.index_cast %parallel_loop3A_481 : i32 to index
          %parallel_loop3A_526 = tpu.vector_load %arg9[%parallel_loop3A_523, %parallel_loop3A_524, %parallel_loop3A_525] {strides = array<i32>} : memref<3x32x1024xf32, #tpu.memory_space<vmem>>, vector<1x1x16xf32>,
          %parallel_loop3A_527 = vector.shape_cast %parallel_loop3A_526 : vector<1x1x16xf32> to vector<16xf32>
          %parallel_loop3A_528 = arith.constant 3.200000e+01 : f32
          %parallel_loop3A_529 = vector.broadcast %parallel_loop3A_528 : f32 to vector<16xf32>
          %parallel_loop3A_530 = arith.mulf %parallel_loop3A_527, %parallel_loop3A_529 : vector<16xf32>
          %parallel_loop3A_531 = arith.addf %parallel_loop3A_530, %parallel_loop3A_486 : vector<16xf32>
          %parallel_loop3A_532 = arith.index_cast %select_n3A_346 : i32 to index
          %parallel_loop3A_533 = arith.index_cast %parallel_loop3A_522 : i32 to index
          %parallel_loop3A_534 = arith.index_cast %parallel_loop3A_481 : i32 to index
          %parallel_loop3A_535 = tpu.vector_load %arg9[%parallel_loop3A_532, %parallel_loop3A_533, %parallel_loop3A_534] {strides = array<i32>} : memref<3x32x1024xf32, #tpu.memory_space<vmem>>, vector<1x1x16xf32>,
          %parallel_loop3A_536 = vector.shape_cast %parallel_loop3A_535 : vector<1x1x16xf32> to vector<16xf32>
          %parallel_loop3A_537 = vector.shape_cast %parallel_loop3A_531 : vector<16xf32> to vector<1x1x16xf32>
          tpu.vector_store %arg9[%parallel_loop3A_532, %parallel_loop3A_533, %parallel_loop3A_534], %parallel_loop3A_537 {strides = array<i32>} : memref<3x32x1024xf32, #tpu.memory_space<vmem>>, vector<1x1x16xf32>,
          %parallel_loop3A_538 = arith.constant 24 : i32
          %parallel_loop3A_539 = arith.addi %parallel_loop3A_538, %parallel_loop3A_475 : i32
          %parallel_loop3A_540 = arith.index_cast %select_n3A_346 : i32 to index
          %parallel_loop3A_541 = arith.index_cast %parallel_loop3A_539 : i32 to index
          %parallel_loop3A_542 = arith.index_cast %parallel_loop3A_481 : i32 to index
          %parallel_loop3A_543 = tpu.vector_load %arg9[%parallel_loop3A_540, %parallel_loop3A_541, %parallel_loop3A_542] {strides = array<i32>} : memref<3x32x1024xf32, #tpu.memory_space<vmem>>, vector<1x1x16xf32>,
          %parallel_loop3A_544 = vector.shape_cast %parallel_loop3A_543 : vector<1x1x16xf32> to vector<16xf32>
          %parallel_loop3A_545 = arith.constant 3.200000e+01 : f32
          %parallel_loop3A_546 = vector.broadcast %parallel_loop3A_545 : f32 to vector<16xf32>
          %parallel_loop3A_547 = arith.mulf %parallel_loop3A_544, %parallel_loop3A_546 : vector<16xf32>
          %parallel_loop3A_548 = arith.addf %parallel_loop3A_547, %parallel_loop3A_486 : vector<16xf32>
          %parallel_loop3A_549 = arith.index_cast %select_n3A_346 : i32 to index
          %parallel_loop3A_550 = arith.index_cast %parallel_loop3A_539 : i32 to index
          %parallel_loop3A_551 = arith.index_cast %parallel_loop3A_481 : i32 to index
          %parallel_loop3A_552 = tpu.vector_load %arg9[%parallel_loop3A_549, %parallel_loop3A_550, %parallel_loop3A_551] {strides = array<i32>} : memref<3x32x1024xf32, #tpu.memory_space<vmem>>, vector<1x1x16xf32>,
          %parallel_loop3A_553 = vector.shape_cast %parallel_loop3A_552 : vector<1x1x16xf32> to vector<16xf32>
          %parallel_loop3A_554 = vector.shape_cast %parallel_loop3A_548 : vector<16xf32> to vector<1x1x16xf32>
          tpu.vector_store %arg9[%parallel_loop3A_549, %parallel_loop3A_550, %parallel_loop3A_551], %parallel_loop3A_554 {strides = array<i32>} : memref<3x32x1024xf32, #tpu.memory_space<vmem>>, vector<1x1x16xf32>,
        } {sc.loop_unroll_factor = 4 : i64, sc.parallel_access}
      } {sc.loop_unroll_factor = 1 : i64, sc.parallel_access}
      %mul3A_403 = arith.constant 8 : i32
      %mul3A_404 = arith.muli %scan3A_335, %mul3A_403 : i32
      %add3A_405 = arith.addi %mul3A_2, %mul3A_404 : i32
      %dma_start3A_406 = arith.constant 0 : i32
      %dma_start3A_407 = arith.constant 0 : i32
      %dma_start3A_408 = arith.constant 0 : i32
      %dma_start3A_409 = tpu.memref_slice %arg9[%select_n3A_346, %dma_start3A_407, %dma_start3A_408] : memref<3x32x1024xf32, #tpu.memory_space<vmem>> -> memref<1x8x1024xf32, #tpu.memory_space<vmem>>
      %dma_start3A_410 = tpu.memref_squeeze %dma_start3A_409 : memref<1x8x1024xf32, #tpu.memory_space<vmem>> -> memref<8x1024xf32, #tpu.memory_space<vmem>>
      %dma_start3A_411 = arith.constant 0 : i32
      %dma_start3A_412 = tpu.memref_slice %arg5[%dma_start3A_406, %add3A_405, %dma_start3A_411] : memref<4x2048x1024xf32, #tpu.memory_space<hbm>> -> memref<1x8x1024xf32, #tpu.memory_space<hbm>>
      %dma_start3A_413 = tpu.memref_squeeze %dma_start3A_412 : memref<1x8x1024xf32, #tpu.memory_space<hbm>> -> memref<8x1024xf32, #tpu.memory_space<hbm>>
      %dma_start3A_414 = arith.constant 0 : i32
      %dma_start3A_415 = tpu.memref_slice %arg5[%dma_start3A_406, %add3A_405, %dma_start3A_414] : memref<4x2048x1024xf32, #tpu.memory_space<hbm>> -> memref<1x8x1024xf32, #tpu.memory_space<hbm>>
      %dma_start3A_416 = tpu.memref_squeeze %dma_start3A_415 : memref<1x8x1024xf32, #tpu.memory_space<hbm>> -> memref<8x1024xf32, #tpu.memory_space<hbm>>
      %dma_start3A_417 = arith.constant 0 : i32
      %dma_start3A_418 = arith.constant 0 : i32
      %dma_start3A_419 = tpu.memref_slice %arg9[%select_n3A_346, %dma_start3A_417, %dma_start3A_418] : memref<3x32x1024xf32, #tpu.memory_space<vmem>> -> memref<1x8x1024xf32, #tpu.memory_space<vmem>>
      %dma_start3A_420 = tpu.memref_squeeze %dma_start3A_419 : memref<1x8x1024xf32, #tpu.memory_space<vmem>> -> memref<8x1024xf32, #tpu.memory_space<vmem>>
      tpu.enqueue_dma source(%dma_start3A_420 : memref<8x1024xf32, #tpu.memory_space<vmem>>) target(%dma_start3A_416 : memref<8x1024xf32, #tpu.memory_space<hbm>>) target_semaphore(%arg11 : memref<!tpu.dma_semaphore, #tpu.memory_space<semaphore_mem>>)
      %mul3A_421 = arith.constant 8 : i32
      %mul3A_422 = arith.muli %scan3A_335, %mul3A_421 : i32
      %add3A_423 = arith.addi %mul3A_2, %mul3A_422 : i32
      %dma_start3A_424 = arith.constant 1 : i32
      %dma_start3A_425 = arith.constant 8 : i32
      %dma_start3A_426 = arith.constant 0 : i32
      %dma_start3A_427 = tpu.memref_slice %arg9[%select_n3A_346, %dma_start3A_425, %dma_start3A_426] : memref<3x32x1024xf32, #tpu.memory_space<vmem>> -> memref<1x8x1024xf32, #tpu.memory_space<vmem>>
      %dma_start3A_428 = tpu.memref_squeeze %dma_start3A_427 : memref<1x8x1024xf32, #tpu.memory_space<vmem>> -> memref<8x1024xf32, #tpu.memory_space<vmem>>
      %dma_start3A_429 = arith.constant 0 : i32
      %dma_start3A_430 = tpu.memref_slice %arg5[%dma_start3A_424, %add3A_423, %dma_start3A_429] : memref<4x2048x1024xf32, #tpu.memory_space<hbm>> -> memref<1x8x1024xf32, #tpu.memory_space<hbm>>
      %dma_start3A_431 = tpu.memref_squeeze %dma_start3A_430 : memref<1x8x1024xf32, #tpu.memory_space<hbm>> -> memref<8x1024xf32, #tpu.memory_space<hbm>>
      %dma_start3A_432 = arith.constant 0 : i32
      %dma_start3A_433 = tpu.memref_slice %arg5[%dma_start3A_424, %add3A_423, %dma_start3A_432] : memref<4x2048x1024xf32, #tpu.memory_space<hbm>> -> memref<1x8x1024xf32, #tpu.memory_space<hbm>>
      %dma_start3A_434 = tpu.memref_squeeze %dma_start3A_433 : memref<1x8x1024xf32, #tpu.memory_space<hbm>> -> memref<8x1024xf32, #tpu.memory_space<hbm>>
      %dma_start3A_435 = arith.constant 8 : i32
      %dma_start3A_436 = arith.constant 0 : i32
      %dma_start3A_437 = tpu.memref_slice %arg9[%select_n3A_346, %dma_start3A_435, %dma_start3A_436] : memref<3x32x1024xf32, #tpu.memory_space<vmem>> -> memref<1x8x1024xf32, #tpu.memory_space<vmem>>
      %dma_start3A_438 = tpu.memref_squeeze %dma_start3A_437 : memref<1x8x1024xf32, #tpu.memory_space<vmem>> -> memref<8x1024xf32, #tpu.memory_space<vmem>>
      tpu.enqueue_dma source(%dma_start3A_438 : memref<8x1024xf32, #tpu.memory_space<vmem>>) target(%dma_start3A_434 : memref<8x1024xf32, #tpu.memory_space<hbm>>) target_semaphore(%arg11 : memref<!tpu.dma_semaphore, #tpu.memory_space<semaphore_mem>>)
      %mul3A_439 = arith.constant 8 : i32
      %mul3A_440 = arith.muli %scan3A_335, %mul3A_439 : i32
      %add3A_441 = arith.addi %mul3A_2, %mul3A_440 : i32
      %dma_start3A_442 = arith.constant 2 : i32
      %dma_start3A_443 = arith.constant 16 : i32
      %dma_start3A_444 = arith.constant 0 : i32
      %dma_start3A_445 = tpu.memref_slice %arg9[%select_n3A_346, %dma_start3A_443, %dma_start3A_444] : memref<3x32x1024xf32, #tpu.memory_space<vmem>> -> memref<1x8x1024xf32, #tpu.memory_space<vmem>>
      %dma_start3A_446 = tpu.memref_squeeze %dma_start3A_445 : memref<1x8x1024xf32, #tpu.memory_space<vmem>> -> memref<8x1024xf32, #tpu.memory_space<vmem>>
      %dma_start3A_447 = arith.constant 0 : i32
      %dma_start3A_448 = tpu.memref_slice %arg5[%dma_start3A_442, %add3A_441, %dma_start3A_447] : memref<4x2048x1024xf32, #tpu.memory_space<hbm>> -> memref<1x8x1024xf32, #tpu.memory_space<hbm>>
      %dma_start3A_449 = tpu.memref_squeeze %dma_start3A_448 : memref<1x8x1024xf32, #tpu.memory_space<hbm>> -> memref<8x1024xf32, #tpu.memory_space<hbm>>
      %dma_start3A_450 = arith.constant 0 : i32
      %dma_start3A_451 = tpu.memref_slice %arg5[%dma_start3A_442, %add3A_441, %dma_start3A_450] : memref<4x2048x1024xf32, #tpu.memory_space<hbm>> -> memref<1x8x1024xf32, #tpu.memory_space<hbm>>
      %dma_start3A_452 = tpu.memref_squeeze %dma_start3A_451 : memref<1x8x1024xf32, #tpu.memory_space<hbm>> -> memref<8x1024xf32, #tpu.memory_space<hbm>>
      %dma_start3A_453 = arith.constant 16 : i32
      %dma_start3A_454 = arith.constant 0 : i32
      %dma_start3A_455 = tpu.memref_slice %arg9[%select_n3A_346, %dma_start3A_453, %dma_start3A_454] : memref<3x32x1024xf32, #tpu.memory_space<vmem>> -> memref<1x8x1024xf32, #tpu.memory_space<vmem>>
      %dma_start3A_456 = tpu.memref_squeeze %dma_start3A_455 : memref<1x8x1024xf32, #tpu.memory_space<vmem>> -> memref<8x1024xf32, #tpu.memory_space<vmem>>
      tpu.enqueue_dma source(%dma_start3A_456 : memref<8x1024xf32, #tpu.memory_space<vmem>>) target(%dma_start3A_452 : memref<8x1024xf32, #tpu.memory_space<hbm>>) target_semaphore(%arg11 : memref<!tpu.dma_semaphore, #tpu.memory_space<semaphore_mem>>)
      %mul3A_457 = arith.constant 8 : i32
      %mul3A_458 = arith.muli %scan3A_335, %mul3A_457 : i32
      %add3A_459 = arith.addi %mul3A_2, %mul3A_458 : i32
      %dma_start3A_460 = arith.constant 3 : i32
      %dma_start3A_461 = arith.constant 24 : i32
      %dma_start3A_462 = arith.constant 0 : i32
      %dma_start3A_463 = tpu.memref_slice %arg9[%select_n3A_346, %dma_start3A_461, %dma_start3A_462] : memref<3x32x1024xf32, #tpu.memory_space<vmem>> -> memref<1x8x1024xf32, #tpu.memory_space<vmem>>
      %dma_start3A_464 = tpu.memref_squeeze %dma_start3A_463 : memref<1x8x1024xf32, #tpu.memory_space<vmem>> -> memref<8x1024xf32, #tpu.memory_space<vmem>>
      %dma_start3A_465 = arith.constant 0 : i32
      %dma_start3A_466 = tpu.memref_slice %arg5[%dma_start3A_460, %add3A_459, %dma_start3A_465] : memref<4x2048x1024xf32, #tpu.memory_space<hbm>> -> memref<1x8x1024xf32, #tpu.memory_space<hbm>>
      %dma_start3A_467 = tpu.memref_squeeze %dma_start3A_466 : memref<1x8x1024xf32, #tpu.memory_space<hbm>> -> memref<8x1024xf32, #tpu.memory_space<hbm>>
      %dma_start3A_468 = arith.constant 0 : i32
      %dma_start3A_469 = tpu.memref_slice %arg5[%dma_start3A_460, %add3A_459, %dma_start3A_468] : memref<4x2048x1024xf32, #tpu.memory_space<hbm>> -> memref<1x8x1024xf32, #tpu.memory_space<hbm>>
      %dma_start3A_470 = tpu.memref_squeeze %dma_start3A_469 : memref<1x8x1024xf32, #tpu.memory_space<hbm>> -> memref<8x1024xf32, #tpu.memory_space<hbm>>
      %dma_start3A_471 = arith.constant 24 : i32
      %dma_start3A_472 = arith.constant 0 : i32
      %dma_start3A_473 = tpu.memref_slice %arg9[%select_n3A_346, %dma_start3A_471, %dma_start3A_472] : memref<3x32x1024xf32, #tpu.memory_space<vmem>> -> memref<1x8x1024xf32, #tpu.memory_space<vmem>>
      %dma_start3A_474 = tpu.memref_squeeze %dma_start3A_473 : memref<1x8x1024xf32, #tpu.memory_space<vmem>> -> memref<8x1024xf32, #tpu.memory_space<vmem>>
      tpu.enqueue_dma source(%dma_start3A_474 : memref<8x1024xf32, #tpu.memory_space<vmem>>) target(%dma_start3A_470 : memref<8x1024xf32, #tpu.memory_space<hbm>>) target_semaphore(%arg11 : memref<!tpu.dma_semaphore, #tpu.memory_space<semaphore_mem>>)
    }
    %scan3A_280 = arith.constant 8 : i32
    %dma_wait3A_281 = arith.constant 0 : i32
    %dma_wait3A_282 = arith.constant 0 : i32
    %dma_wait3A_283 = arith.constant 0 : i32
    %dma_wait3A_284 = arith.constant 0 : i32
    %dma_wait3A_285 = tpu.memref_slice %arg9[%dma_wait3A_281, %dma_wait3A_283, %dma_wait3A_284] : memref<3x32x1024xf32, #tpu.memory_space<vmem>> -> memref<1x32x1024xf32, #tpu.memory_space<vmem>>
    %dma_wait3A_286 = tpu.memref_squeeze %dma_wait3A_285 : memref<1x32x1024xf32, #tpu.memory_space<vmem>> -> memref<32x1024xf32, #tpu.memory_space<vmem>>
    %dma_wait3A_287 = arith.constant 0 : i32
    %dma_wait3A_288 = arith.constant 0 : i32
    %dma_wait3A_289 = tpu.memref_slice %arg5[%dma_wait3A_282, %dma_wait3A_287, %dma_wait3A_288] : memref<4x2048x1024xf32, #tpu.memory_space<hbm>> -> memref<1x32x1024xf32, #tpu.memory_space<hbm>>
    %dma_wait3A_290 = tpu.memref_squeeze %dma_wait3A_289 : memref<1x32x1024xf32, #tpu.memory_space<hbm>> -> memref<32x1024xf32, #tpu.memory_space<hbm>>
    %dma_wait3A_291 = arith.constant 0 : i32
    %dma_wait3A_292 = arith.constant 0 : i32
    %dma_wait3A_293 = tpu.memref_slice %arg5[%dma_wait3A_282, %dma_wait3A_291, %dma_wait3A_292] : memref<4x2048x1024xf32, #tpu.memory_space<hbm>> -> memref<1x32x1024xf32, #tpu.memory_space<hbm>>
    %dma_wait3A_294 = tpu.memref_squeeze %dma_wait3A_293 : memref<1x32x1024xf32, #tpu.memory_space<hbm>> -> memref<32x1024xf32, #tpu.memory_space<hbm>>
    %dma_wait3A_295 = arith.constant 0 : i32
    %dma_wait3A_296 = arith.constant 0 : i32
    %dma_wait3A_297 = tpu.memref_slice %arg9[%dma_wait3A_281, %dma_wait3A_295, %dma_wait3A_296] : memref<3x32x1024xf32, #tpu.memory_space<vmem>> -> memref<1x32x1024xf32, #tpu.memory_space<vmem>>
    %dma_wait3A_298 = tpu.memref_squeeze %dma_wait3A_297 : memref<1x32x1024xf32, #tpu.memory_space<vmem>> -> memref<32x1024xf32, #tpu.memory_space<vmem>>
    tpu.wait_dma2 semaphore(%arg11 : memref<!tpu.dma_semaphore, #tpu.memory_space<semaphore_mem>>) src(%dma_wait3A_298 : memref<32x1024xf32, #tpu.memory_space<vmem>>) dst(%dma_wait3A_294 : memref<32x1024xf32, #tpu.memory_space<hbm>>)
    %dma_wait3A_299 = arith.constant 0 : i32
    %dma_wait3A_300 = arith.constant 0 : i32
    %dma_wait3A_301 = arith.constant 0 : i32
    %dma_wait3A_302 = arith.constant 0 : i32
    %dma_wait3A_303 = tpu.memref_slice %arg9[%dma_wait3A_299, %dma_wait3A_301, %dma_wait3A_302] : memref<3x32x1024xf32, #tpu.memory_space<vmem>> -> memref<1x32x1024xf32, #tpu.memory_space<vmem>>
    %dma_wait3A_304 = tpu.memref_squeeze %dma_wait3A_303 : memref<1x32x1024xf32, #tpu.memory_space<vmem>> -> memref<32x1024xf32, #tpu.memory_space<vmem>>
    %dma_wait3A_305 = arith.constant 0 : i32
    %dma_wait3A_306 = arith.constant 0 : i32
    %dma_wait3A_307 = tpu.memref_slice %arg5[%dma_wait3A_300, %dma_wait3A_305, %dma_wait3A_306] : memref<4x2048x1024xf32, #tpu.memory_space<hbm>> -> memref<1x32x1024xf32, #tpu.memory_space<hbm>>
    %dma_wait3A_308 = tpu.memref_squeeze %dma_wait3A_307 : memref<1x32x1024xf32, #tpu.memory_space<hbm>> -> memref<32x1024xf32, #tpu.memory_space<hbm>>
    %dma_wait3A_309 = arith.constant 0 : i32
    %dma_wait3A_310 = arith.constant 0 : i32
    %dma_wait3A_311 = tpu.memref_slice %arg5[%dma_wait3A_300, %dma_wait3A_309, %dma_wait3A_310] : memref<4x2048x1024xf32, #tpu.memory_space<hbm>> -> memref<1x32x1024xf32, #tpu.memory_space<hbm>>
    %dma_wait3A_312 = tpu.memref_squeeze %dma_wait3A_311 : memref<1x32x1024xf32, #tpu.memory_space<hbm>> -> memref<32x1024xf32, #tpu.memory_space<hbm>>
    %dma_wait3A_313 = arith.constant 0 : i32
    %dma_wait3A_314 = arith.constant 0 : i32
    %dma_wait3A_315 = tpu.memref_slice %arg9[%dma_wait3A_299, %dma_wait3A_313, %dma_wait3A_314] : memref<3x32x1024xf32, #tpu.memory_space<vmem>> -> memref<1x32x1024xf32, #tpu.memory_space<vmem>>
    %dma_wait3A_316 = tpu.memref_squeeze %dma_wait3A_315 : memref<1x32x1024xf32, #tpu.memory_space<vmem>> -> memref<32x1024xf32, #tpu.memory_space<vmem>>
    tpu.wait_dma2 semaphore(%arg11 : memref<!tpu.dma_semaphore, #tpu.memory_space<semaphore_mem>>) src(%dma_wait3A_316 : memref<32x1024xf32, #tpu.memory_space<vmem>>) dst(%dma_wait3A_312 : memref<32x1024xf32, #tpu.memory_space<hbm>>)
    %dma_wait3A_317 = arith.constant 0 : i32
    %dma_wait3A_318 = arith.constant 0 : i32
    %dma_wait3A_319 = arith.constant 0 : i32
    %dma_wait3A_320 = arith.constant 0 : i32
    %dma_wait3A_321 = tpu.memref_slice %arg9[%dma_wait3A_317, %dma_wait3A_319, %dma_wait3A_320] : memref<3x32x1024xf32, #tpu.memory_space<vmem>> -> memref<1x32x1024xf32, #tpu.memory_space<vmem>>
    %dma_wait3A_322 = tpu.memref_squeeze %dma_wait3A_321 : memref<1x32x1024xf32, #tpu.memory_space<vmem>> -> memref<32x1024xf32, #tpu.memory_space<vmem>>
    %dma_wait3A_323 = arith.constant 0 : i32
    %dma_wait3A_324 = arith.constant 0 : i32
    %dma_wait3A_325 = tpu.memref_slice %arg5[%dma_wait3A_318, %dma_wait3A_323, %dma_wait3A_324] : memref<4x2048x1024xf32, #tpu.memory_space<hbm>> -> memref<1x32x1024xf32, #tpu.memory_space<hbm>>
    %dma_wait3A_326 = tpu.memref_squeeze %dma_wait3A_325 : memref<1x32x1024xf32, #tpu.memory_space<hbm>> -> memref<32x1024xf32, #tpu.memory_space<hbm>>
    %dma_wait3A_327 = arith.constant 0 : i32
    %dma_wait3A_328 = arith.constant 0 : i32
    %dma_wait3A_329 = tpu.memref_slice %arg5[%dma_wait3A_318, %dma_wait3A_327, %dma_wait3A_328] : memref<4x2048x1024xf32, #tpu.memory_space<hbm>> -> memref<1x32x1024xf32, #tpu.memory_space<hbm>>
    %dma_wait3A_330 = tpu.memref_squeeze %dma_wait3A_329 : memref<1x32x1024xf32, #tpu.memory_space<hbm>> -> memref<32x1024xf32, #tpu.memory_space<hbm>>
    %dma_wait3A_331 = arith.constant 0 : i32
    %dma_wait3A_332 = arith.constant 0 : i32
    %dma_wait3A_333 = tpu.memref_slice %arg9[%dma_wait3A_317, %dma_wait3A_331, %dma_wait3A_332] : memref<3x32x1024xf32, #tpu.memory_space<vmem>> -> memref<1x32x1024xf32, #tpu.memory_space<vmem>>
    %dma_wait3A_334 = tpu.memref_squeeze %dma_wait3A_333 : memref<1x32x1024xf32, #tpu.memory_space<vmem>> -> memref<32x1024xf32, #tpu.memory_space<vmem>>
    tpu.wait_dma2 semaphore(%arg11 : memref<!tpu.dma_semaphore, #tpu.memory_space<semaphore_mem>>) src(%dma_wait3A_334 : memref<32x1024xf32, #tpu.memory_space<vmem>>) dst(%dma_wait3A_330 : memref<32x1024xf32, #tpu.memory_space<hbm>>)
    return
  }
}

</mosaic_0001>

<sc_bundles>
// kernel: kernel.3.cloned.1.call-start
scs
__scs_entry_jumppad:
0x0: {  	(pc) =	sbr.rel $0x88, $3  }
0x1: {  	(tag) =	ssettag $0x0;
	lr =	simm.s32 $0x1  }
0x2: {  	[smem:$0x3F9E] =	sst lr;
	_ =	strace $0xD0000000  }
0x3: {  	_ = 	snop  }
0x4: {  	_ = 	snop  }
0x5: {  	_ = 	snop  }
0x6: {  	_ = 	snop  }
0x7: {  	_ = 	snop  }
__scs_overlays_trampoline_lowered:
0x8: {  	[smem:$0x3FAD] =	sst s0  }
0x9: {  	[smem:$0x3FAE] =	sst s1  }
0xa: {  	[smem:$0x3FAF] =	sst s2  }
0xb: {  	[smem:$0x3FB0] =	sst s3  }
0xc: {  	[smem:$0x3FB1] =	sst s4  }
0xd: {  	[smem:$0x3FB2] =	sst s5  }
0xe: {  	[smem:$0x3FB3] =	sst s6  }
0xf: {  	[smem:$0x3FB4] =	sst s7  }
0x10: {  	[smem:$0x3FB5] =	sst s8  }
0x11: {  	[smem:$0x3FB6] =	sst s9;
	s0 =	simm.s32 @!p0 $0x0  }
0x12: {  	s1 =	sld [smem:$0x3F9C];
	s0 =	simm.s32 @p0 $0x1  }
0x13: {  	[smem:$0x3FB7] =	sst s0;
	s0 =	simm.s32 @!p1 $0x0  }
0x14: {  	s2 =	sld [smem:$0x3F9B];
	s0 =	simm.s32 @p1 $0x1  }
0x15: {  	[smem:$0x3FB8] =	sst s0;
	s0 =	simm.s32 @!p2 $0x0  }
0x16: {  	s3 =	sld [smem:$0x3FDB];
	s0 =	simm.s32 @p2 $0x1  }
0x17: {  	s4 =	simm.s32 $0x1BF5;
	[smem:$0x3FBA] =	sst s0  }
0x18: {  	s0 =	sld [smem:$0x3F9D];
	_ =	swait.ge [sflag:s4], $0x0  }
0x19: {  	s7 =	sld [smem:$0x3F9E]  }
0x1a: {  	s8 =	sadd.s32 $0xFFFFE003, lr  }
0x1b: {  	s9 =	sadd.s32 $0xFFFFFEF7, lr;
	s5 =	simm.s32 $0xFFFFFFFF;
	p2 =	slt.u32 s8, $0xFFFFF086  }
0x1c: {  	p1 =	slt.u32 s9, $0xF7A;
	s5 =	simm.s32 @!p2 $0x0  }
0x1d: {  	s5 =	simm.s32 @p1 $0x1;
	p0 =	seq.s32 s7, s2  }
0x1e: {  	s7 =	smul.u32 @!p0 $0xF7A, s2;
	p2 =	seq.s32 @!p0 s5, $0x0  }
0x1f: {  	s9 =	smul.u32 $0xF7A, s1;
	s8 =	simm.s32 @!p0 $0x1BF5;
	p2 =	por !p2, p0  }
0x20: {  	[sflag:s8] =	ssyncset.s32 @!p0 $0xFFFFF086;
	s6 =	sadd.s32 @!p0 s3, s7;
	s7 =	simm.s32 @!p0 $0x108  }
0x21: {  	s3 =	sadd.s32 s3, s9;
	s6 =	sadd.s32 @!p0 $0x88, s6;
	s7 =	simm.s32 @p2 $0x1082  }
0x22: {  	[simem:s7], [sflag:s8] =	dma.local @!p0 [hbm:s6], $0xF7A  }
0x23: {  	s9 =	sor.u32 $0xD0000000, s2;
	s6 =	simm.s32 $0x108;
	_ =	swait.ge @!p0 [sflag:s8], $0x0  }
0x24: {  	s3 =	sadd.s32 $0x88, s3;
	s6 =	simm.s32 @!p1 $0x1082;
	[sflag:s4] =	ssyncset.s32 $0xFFFFF086  }
0x25: {  	[simem:s6], [sflag:s4] =	dma.local [hbm:s3], $0xF7A  }
0x26: {  	[smem:$0x3F9E] =	sst s1;
	(tag) =	ssettag s2;
	_ =	strace s9  }
0x27: {  	s1 =	sld [smem:$0x3FAE]  }
0x28: {  	s2 =	sld [smem:$0x3FAF]  }
0x29: {  	s4 =	sld [smem:$0x3FB1]  }
0x2a: {  	p0 =	seq.s32 s5, $0x0;
	s5 =	sld [smem:$0x3FB2]  }
0x2b: {  	s6 =	sld [smem:$0x3FB3]  }
0x2c: {  	s7 =	sld [smem:$0x3FB4]  }
0x2d: {  	s3 =	simm.s32 $0x108;
	s8 =	sld [smem:$0x3FB5]  }
0x2e: {  	s3 =	simm.s32 @!p0 $0x1082;
	s9 =	sld [smem:$0x3FB6]  }
0x2f: {  	lr =	sadd.s32 s0, s3;
	s0 =	sld [smem:$0x3FAD]  }
0x30: {  	s3 =	sld [smem:$0x3FB0]  }
0x31: {  	[smem:$0x3FB9] =	sst s10  }
0x32: {  	s10 =	sld [smem:$0x3FB7];
	_ =	sdelay $0x3  }
0x33: {  	p0 =	seq.s32 s10, $0x1;
	s10 =	sld [smem:$0x3FB9];
	_ =	sdelay $0x3  }
0x34: {  	[smem:$0x3FB9] =	sst s10  }
0x35: {  	s10 =	sld [smem:$0x3FB8];
	_ =	sdelay $0x3  }
0x36: {  	p1 =	seq.s32 s10, $0x1;
	s10 =	sld [smem:$0x3FB9];
	_ =	sdelay $0x3  }
0x37: {  	[smem:$0x3FB9] =	sst s10  }
0x38: {  	s10 =	sld [smem:$0x3FBA]  }
0x39: {  	_ = 	snop;
	(pc) =	sbr.ind lr, $3  }
0x3a: {  	_ = 	snop  }
0x3b: {  	_ = 	snop  }
0x3c: {  	p2 =	seq.s32 s10, $0x1;
	s10 =	sld [smem:$0x3FB9]  }
0x3d: {  	_ =	shalt  }
0x3e: {  	_ =	shalt  }
0x3f: {  	_ =	shalt  }
0x40: {  	_ =	shalt  }
0x41: {  	_ =	shalt  }
0x42: {  	_ =	shalt  }
0x43: {  	_ =	shalt  }
0x44: {  	_ =	shalt  }
0x45: {  	_ =	shalt  }
0x46: {  	_ =	shalt  }
0x47: {  	_ =	shalt  }
0x48: {  	_ =	shalt  }
0x49: {  	_ =	shalt  }
0x4a: {  	_ =	shalt  }
0x4b: {  	_ =	shalt  }
0x4c: {  	_ =	shalt  }
0x4d: {  	_ =	shalt  }
0x4e: {  	_ =	shalt  }
0x4f: {  	_ =	shalt  }
0x50: {  	_ =	shalt  }
0x51: {  	_ =	shalt  }
0x52: {  	_ =	shalt  }
0x53: {  	_ =	shalt  }
0x54: {  	_ =	shalt  }
0x55: {  	_ =	shalt  }
0x56: {  	_ =	shalt  }
0x57: {  	_ =	shalt  }
0x58: {  	_ =	shalt  }
0x59: {  	_ =	shalt  }
0x5a: {  	_ =	shalt  }
0x5b: {  	_ =	shalt  }
0x5c: {  	_ =	shalt  }
0x5d: {  	_ =	shalt  }
0x5e: {  	_ =	shalt  }
0x5f: {  	_ =	shalt  }
0x60: {  	_ =	shalt  }
0x61: {  	_ =	shalt  }
0x62: {  	_ =	shalt  }
0x63: {  	_ =	shalt  }
0x64: {  	_ =	shalt  }
0x65: {  	_ =	shalt  }
0x66: {  	_ =	shalt  }
0x67: {  	_ =	shalt  }
0x68: {  	_ =	shalt  }
0x69: {  	_ =	shalt  }
0x6a: {  	_ =	shalt  }
0x6b: {  	_ =	shalt  }
0x6c: {  	_ =	shalt  }
0x6d: {  	_ =	shalt  }
0x6e: {  	_ =	shalt  }
0x6f: {  	_ =	shalt  }
0x70: {  	_ =	shalt  }
0x71: {  	_ =	shalt  }
0x72: {  	_ =	shalt  }
0x73: {  	_ =	shalt  }
0x74: {  	_ =	shalt  }
0x75: {  	_ =	shalt  }
0x76: {  	_ =	shalt  }
0x77: {  	_ =	shalt  }
0x78: {  	_ =	shalt  }
0x79: {  	_ =	shalt  }
0x7a: {  	_ =	shalt  }
0x7b: {  	_ =	shalt  }
0x7c: {  	_ =	shalt  }
0x7d: {  	_ =	shalt  }
0x7e: {  	_ =	shalt  }
0x7f: {  	_ =	shalt  }
0x80: {  	_ =	shalt  }
0x81: {  	_ =	shalt  }
0x82: {  	_ =	shalt  }
0x83: {  	_ =	shalt  }
0x84: {  	_ =	shalt  }
0x85: {  	_ =	shalt  }
0x86: {  	_ =	shalt  }
0x87: {  	_ =	shalt  }
.Lfunc_end0:
.L_simem_size_0:
called_computation_lowered:
.L_overlay_start_0:
0x88: {  	s2 =	sld [smem:$0x3FD9]  }
0x89: {  	s3 =	sld [smem:$0x3FFE];
	_ =	sdelay $0x1  }
0x8a: {  	s1 =	srdreg.scid  }
0x8b: {  	s0 =	sand.u32 $0x1, s1  }
0x8c: {  	s18 =	sshll.u32 s0, $0xA;
	s2 =	sadd.s32 s3, s2  }
0x8d: {  	s2 =	sadd.s32 s2, s18  }
0x8e: {  	[smem:$0x3FC5] =	sst s2  }
0x8f: {  	_ = 	snop  }
0x90: {  	s2 =	sld [smem:$0x3FC9]  }
0x91: {  	s19 =	sld [smem:$0x3FC8]  }
0x92: {  	s4 =	sld [smem:$0x3FC7]  }
0x93: {  	s5 =	sld [smem:$0x3FD0];
	(tm) =	ssettm $0x1  }
0x94: {  	s6 =	sld [smem:$0x3FFB];
	_ =	sdelay $0x3  }
0x95: {  	_ =	strace s6  }
0x96: {  	s6 =	sld [smem:$0x3FFC];
	_ =	sdelay $0x3  }
0x97: {  	_ =	strace s6  }
0x98: {  	s6 =	sld [smem:$0x3FFD];
	_ =	sdelay $0x3  }
0x99: {  	_ =	strace s6  }
0x9a: {  	_ =	strace $0x8FFFFFFF  }
0x9b: {  	s20 =	sld [smem:$0x3FDB];
	_ =	sdelay $0x1  }
0x9c: {  	s7 =	simm.s32 $_scs_section_size  }
0x9d: {  	s8 =	simm.s32 $_size__tile_overlayer_lowered;
	s9 =	simm.s32 $_tile_overlayer_lowered  }
0x9e: {  	s23 =	simm.s32 $0x1BFF;
	s22 =	sshll.u32 s9, $0x1;
	s6 =	sadd.s32 s7, s20  }
0x9f: {  	s10 =	simm.s32 $0x0;
	s21 =	sshll.u32 s8, $0x1;
	s8 =	sadd.s32 s22, s6  }
0xa0: {  	[timem:s10], [sflag:s23] =	dma.local [hbm:s8], s21  }
0xa1: {  	_ =	swait.ge [sflag:s23], s21  }
0xa2: {  	s7 =	ssub.s32 $0x0, s21;
	[sflag:s23] =	ssyncset.done $0x0  }
0xa3: {  	[sflag:s23] =	ssyncadd.s32 s7;
	_ =	sdelay $0x1  }
0xa4: {  	s24 =	simm.s32 $0x1B8B  }
0xa5: {  	_ =	swait.ge [sflag:s24], $0x1  }
0xa6: {  	[sflag:s24] =	ssyncset.done $0x0  }
0xa7: {  	s25 =	simm.s32 $0x1B8E;
	[sflag:s24] =	ssyncadd.s32 $0xFFFFFFFF  }
0xa8: {  	s26 =	simm.s32 $execute0_lowered;
	[smem:$0x3FD2] =	sst s25  }
0xa9: {  	s7 =	sshll.u32 s26, $0x1;
	_ =	strace $0x80000046;
	[dreg:$0x1] =	wrdreg $0xFFFFFFFF  }
0xaa: {  	s28 =	simm.s32 $_size_execute0_lowered;
	s6 =	sadd.s32 s6, s7;
	[dreg:$0x0] =	wrdreg $0x0  }
0xab: {  	s7 =	sshll.u32 s28, $0x1;
	[dreg:$0x2] =	wrdreg s6  }
0xac: {  	[dreg:$0x3] =	wrdreg s7  }
0xad: {  	[dreg:$0x4] =	wrdreg $0xC0  }
0xae: {  	_ =	task [dreg:s10], $0x5FFFF  }
0xaf: {  	[dreg:$0x1] =	wrdreg $0xFFFFFFFF  }
0xb0: {  	[dreg:$0x0] =	wrdreg $0x60  }
0xb1: {  	[dreg:$0x2] =	wrdreg s2  }
0xb2: {  	[dreg:$0x3] =	wrdreg s19  }
0xb3: {  	[dreg:$0x4] =	wrdreg s4  }
0xb4: {  	[dreg:$0x5] =	wrdreg s5  }
0xb5: {  	[dreg:$0x6] =	wrdreg $0x9  }
0xb6: {  	_ =	task.clear_ibuf [dreg:s10], $0x7FFFF;
	_ =	strace $0x90000046  }
0xb7: {  	s29 =	simm.s32 $0x9;
	_ =	strace $0x80000048  }
0xb8: {  	_ =	swait.ge [sflag:s29], $0x1  }
0xb9: {  	[sflag:s29] =	ssyncadd.s32 $0xFFFFFFFF  }
0xba: {  	_ =	strace $0x90000048  }
0xbb: {  	_ =	sfence  }
0xbc: {  	s30 =	sld [smem:$0x0];
	_ =	sdelay $0x2  }
0xbd: {  	s31 =	sshll.u32 s1, $0xD;
	s1 =	sshrl.u32 s1, $0x2  }
0xbe: {  	s3 =	sand.u32 $0x4000, s31;
	s1 =	sadd.s32 s1, s30  }
0xbf: {  	s0 =	sor.u32 s3, s0;
	s1 =	sshll.u32 s1, $0x11  }
0xc0: {  	s0 =	sor.u32 s1, s0  }
0xc1: {  	s0 =	sadd.s32 $0x8F2B, s0  }
0xc2: {  	[sflag:s0] =	ssyncadd.remote.s32 $0x1  }
0xc3: {  	_ =	sfence.sel $0xFFFF  }
0xc4: {  	[dreg:$0x0] =	wrdreg $0xFFFFFFFF;
	(pc) =	sbr.abs _section_cstart, $3  }
0xc5: {  	[dreg:$0x1] =	wrdreg $0xFFFFFFFF  }
0xc6: {  	_ =	task.clear_ibuf [dreg:s10], $0x2FFFF;
	_ =	strace $0x9FFFFFFF  }
0xc7: {  	(tm) =	ssettm $0x7FFFFFFF  }
tec
execute0_lowered:
.L_overlay_start_1:
0x0: {  	(tag) =	ssettag $0x1  }
0x1: {  	s0 =	rddreg [dreg:$0x0]  }
0x2: {  	s6 =	rddreg [dreg:$0x1];
	s1 =	srdreg.scid  }
0x3: {  	s7 =	rddreg [dreg:$0x2];
	s2 =	stileid.u32  }
0x4: {  	s8 =	rddreg [dreg:$0x3];
	s4 =	simm.s32 $0x0;
	s1 =	sand.u32 $0x1, s1  }
0x5: {  	s2 =	sshll.u32 s2, $0x7;
	[smem:$0x7FF] =	sst s4;
	s24 =	sadd.s32 $0x100, s6  }
0x6: {  	s26 =	sadd.s32 $0x200, s6;
	_ =	strace $0x80000047;
	[dreg:$0x12] =	wrdreg s24  }
0x7: {  	s28 =	sadd.s32 $0x300, s6;
	s3 =	sshll.u32 s1, $0x6;
	[dreg:$0x13] =	wrdreg s26  }
0x8: {  	s30 =	sadd.s32 $0xC0000, s8;
	[dreg:$0x14] =	wrdreg s28;
	s2 =	sor.u32 s3, s2  }
0x9: {  	s1 =	ssub.s32 $0x2, s1;
	[dreg:$0x17] =	wrdreg s30;
	s21 =	sshll.u32 s2, $0x2  }
0xa: {  	s22 =	sshrl.u32 s1, $0x1;
	s29 =	sshrl.u32 s2, $0x3;
	s5 =	sand.u32 $0x1E00, s21  }
0xb: {  	s1 =	ssub.s32 s1, s22;
	[dreg:$0x16] =	wrdreg s29;
	s5 =	sor.u32 s3, s5  }
0xc: {  	s31 =	smax.u32 s1, $0x1;
	s3 =	sor.u32 s3, s21;
	s5 =	sshrl.u32 s5, $0x3  }
0xd: {  	[dreg:$0x18] =	wrdreg s31;
	s3 =	sshrl.u32 s3, $0x3;
	s5 =	sadd.s32 s0, s5  }
0xe: {  	s23 =	sor.u32 $0x20, s3;
	[dreg:$0xe] =	wrdreg s5;
	s5 =	sadd.s32 $0x10, s5  }
0xf: {  	s3 =	sor.u32 $0x30, s3;
	s4 =	sadd.s32 s0, s23;
	[dreg:$0xf] =	wrdreg s5  }
0x10: {  	v2 =	vlaneseq.u32;
	s25 =	sshll.u32 s2, $0x7;
	s0 =	sadd.s32 s0, s3;
	[dreg:$0x10] =	wrdreg s4  }
0x11: {  	vm0 =	vmmov $0xff;
	vm1 =	vmmov $0xffff;
	v1 =	vshrl.u32 v2, $0x3;
	[dreg:$0x11] =	wrdreg s0;
	s0 =	sadd.s32 s7, s25  }
0x12: {  	v0 =	vand.u32 $0x7, v2;
	v2 =	vor.u32 $0x8, v2;
	v1 =	vmul.u32 $0x8, v1;
	s2 =	simm.s32 $0x0;
	[dreg:$0x15] =	wrdreg s0  }
.LBB2_1:
0x13: {  	[dreg:$0x19] =	wrdreg s2  }
0x14: {  	s1 =	simm.s32 $0x0;
	s0 =	rddreg [dreg:$0xe]  }
0x15: {  	[tilespmem:s1], [sflag:$0x3] =	stream.linear.gather [hbm4b:s0+s1], $0x40, $0x38;
	[tilespmem:$0x1C200] =	vst v63  }
0x16: {  	s6 =	rddreg [dreg:$0xf];
	s7 =	simm.s32 $0x40  }
0x17: {  	[tilespmem:s7], [sflag:$0x3] =	stream.linear.gather [hbm4b:s6+s1], $0x40, $0x38;
	[tilespmem:$0x1C200] =	vst v63  }
0x18: {  	s8 =	rddreg [dreg:$0x10];
	s9 =	simm.s32 $0x80  }
0x19: {  	[tilespmem:s9], [sflag:$0x3] =	stream.linear.gather [hbm4b:s8+s1], $0x40, $0x38;
	[tilespmem:$0x1C200] =	vst v63  }
0x1a: {  	s10 =	rddreg [dreg:$0x11];
	s11 =	simm.s32 $0xC0;
	s12 =	simm.s32 $0x3  }
0x1b: {  	[tilespmem:s11], [sflag:$0x3] =	stream.linear.gather [hbm4b:s10+s1], $0x40, $0x38;
	[tilespmem:$0x1C200] =	vst v63  }
0x1c: {  	_ =	swait.ge [sflag:s12], $0x40  }
0x1d: {  	[sflag:s12] =	ssyncset.done $0x0  }
0x1e: {  	[sflag:s12] =	ssyncadd.s32 $0xFFFFFFC0  }
0x1f: {  	_ =	swait.ge [sflag:s12], $0x40  }
0x20: {  	[sflag:s12] =	ssyncset.done $0x0  }
0x21: {  	[sflag:s12] =	ssyncadd.s32 $0xFFFFFFC0  }
0x22: {  	_ =	swait.ge [sflag:s12], $0x40  }
0x23: {  	[sflag:s12] =	ssyncset.done $0x0  }
0x24: {  	[sflag:s12] =	ssyncadd.s32 $0xFFFFFFC0  }
0x25: {  	_ =	swait.ge [sflag:s12], $0x40  }
0x26: {  	[sflag:s12] =	ssyncset.done $0x0  }
0x27: {  	[sflag:s12] =	ssyncadd.s32 $0xFFFFFFC0  }
0x28: {  	v3 =	vld [tilespmem:$0x0]  }
0x29: {  	v4 =	vld [tilespmem:$0x38];
	_ =	sdelay $0x4  }
0x2a: {  	v3 =	vsel vm0, v3, v4  }
0x2b: {  	v4 =	vshll.u32 v3, $0x3  }
0x2c: {  	v5 =	vand.u32 $0x7, v3;
	v4 =	vand.u32 $0xFFFFFFC0, v4  }
0x2d: {  	v6 =	vld [tilespmem:$0x80];
	v4 =	vor.u32 v5, v4  }
0x2e: {  	v51 =	vld [tilespmem:$0xB8];
	v7 =	vperm.xlane v4, v0;
	_ =	sdelay $0x1  }
0x2f: {  	v7 =	vadd.s32 v1, v7;
	_ =	sdelay $0x2  }
0x30: {  	[tilespmem:$0x100] =	vst v3;
	v3 =	vsel vm0, v6, v51  }
0x31: {  	s13 =	simm.s32 $0x4200;
	s0 =	rddreg [dreg:$0x1];
	[tilespmem:$0x110] =	vst v3  }
0x32: {  	[tilespmem:s13], [sflag:$0x1] =	stream.indirect_vreg.gather [hbm4b:s0+s1], $0x80, v7, vm1, $0xb8;
	[tilespmem:$0x1C200] =	vst v63  }
0x33: {  	s3 =	simm.s32 $0x4A00;
	s14 =	rddreg [dreg:$0x12];
	v3 =	vperm.xlane v4, v2  }
0x34: {  	[tilespmem:s3], [sflag:$0x1] =	stream.indirect_vreg.gather [hbm4b:s14+s1], $0x80, v7, vm1, $0xb8;
	[tilespmem:$0x1C200] =	vst v63  }
0x35: {  	s4 =	simm.s32 $0x5200;
	s15 =	rddreg [dreg:$0x13];
	v3 =	vadd.s32 v1, v3  }
0x36: {  	[tilespmem:s4], [sflag:$0x1] =	stream.indirect_vreg.gather [hbm4b:s15+s1], $0x80, v7, vm1, $0xb8;
	[tilespmem:$0x1C200] =	vst v63  }
0x37: {  	s5 =	simm.s32 $0x5A00;
	s16 =	rddreg [dreg:$0x14]  }
0x38: {  	[tilespmem:s5], [sflag:$0x1] =	stream.indirect_vreg.gather [hbm4b:s16+s1], $0x80, v7, vm1, $0xb8;
	[tilespmem:$0x1C200] =	vst v63  }
0x39: {  	s17 =	simm.s32 $0x6200  }
0x3a: {  	[tilespmem:s17], [sflag:$0x1] =	stream.indirect_vreg.gather [hbm4b:s0+s1], $0x80, v3, vm1, $0xb8;
	[tilespmem:$0x1C200] =	vst v63  }
0x3b: {  	s18 =	simm.s32 $0x6A00  }
0x3c: {  	[tilespmem:s18], [sflag:$0x1] =	stream.indirect_vreg.gather [hbm4b:s14+s1], $0x80, v3, vm1, $0xb8;
	[tilespmem:$0x1C200] =	vst v63  }
0x3d: {  	s19 =	simm.s32 $0x7200  }
0x3e: {  	[tilespmem:s19], [sflag:$0x1] =	stream.indirect_vreg.gather [hbm4b:s15+s1], $0x80, v3, vm1, $0xb8;
	[tilespmem:$0x1C200] =	vst v63  }
0x3f: {  	s20 =	simm.s32 $0x7A00  }
0x40: {  	[tilespmem:s20], [sflag:$0x1] =	stream.indirect_vreg.gather [hbm4b:s16+s1], $0x80, v3, vm1, $0xb8;
	[tilespmem:$0x1C200] =	vst v63  }
0x41: {  	v3 =	vld [tilespmem:$0x110];
	_ =	sdelay $0x4  }
0x42: {  	v52 =	vshll.u32 v3, $0x3  }
0x43: {  	v3 =	vand.u32 $0x7, v3;
	v4 =	vand.u32 $0xFFFFFFC0, v52  }
0x44: {  	v3 =	vor.u32 v3, v4  }
0x45: {  	v4 =	vperm.xlane v3, v0;
	_ =	sdelay $0x1  }
0x46: {  	v4 =	vadd.s32 v1, v4;
	_ =	sdelay $0x3  }
0x47: {  	s21 =	simm.s32 $0x8200  }
0x48: {  	[tilespmem:s21], [sflag:$0x1] =	stream.indirect_vreg.gather [hbm4b:s0+s1], $0x80, v4, vm1, $0xb8;
	[tilespmem:$0x1C200] =	vst v63  }
0x49: {  	s22 =	simm.s32 $0x8A00;
	v3 =	vperm.xlane v3, v2  }
0x4a: {  	[tilespmem:s22], [sflag:$0x1] =	stream.indirect_vreg.gather [hbm4b:s14+s1], $0x80, v4, vm1, $0xb8;
	[tilespmem:$0x1C200] =	vst v63  }
0x4b: {  	s23 =	simm.s32 $0x9200;
	v3 =	vadd.s32 v1, v3  }
0x4c: {  	[tilespmem:s23], [sflag:$0x1] =	stream.indirect_vreg.gather [hbm4b:s15+s1], $0x80, v4, vm1, $0xb8;
	[tilespmem:$0x1C200] =	vst v63  }
0x4d: {  	s24 =	simm.s32 $0x9A00  }
0x4e: {  	[tilespmem:s24], [sflag:$0x1] =	stream.indirect_vreg.gather [hbm4b:s16+s1], $0x80, v4, vm1, $0xb8;
	[tilespmem:$0x1C200] =	vst v63  }
0x4f: {  	s25 =	simm.s32 $0xA200  }
0x50: {  	[tilespmem:s25], [sflag:$0x1] =	stream.indirect_vreg.gather [hbm4b:s0+s1], $0x80, v3, vm1, $0xb8;
	[tilespmem:$0x1C200] =	vst v63  }
0x51: {  	s26 =	simm.s32 $0xAA00  }
0x52: {  	[tilespmem:s26], [sflag:$0x1] =	stream.indirect_vreg.gather [hbm4b:s14+s1], $0x80, v3, vm1, $0xb8;
	[tilespmem:$0x1C200] =	vst v63  }
0x53: {  	s28 =	simm.s32 $0xB200  }
0x54: {  	[tilespmem:s28], [sflag:$0x1] =	stream.indirect_vreg.gather [hbm4b:s15+s1], $0x80, v3, vm1, $0xb8;
	[tilespmem:$0x1C200] =	vst v63  }
0x55: {  	s29 =	simm.s32 $0xBA00  }
0x56: {  	[tilespmem:s29], [sflag:$0x1] =	stream.indirect_vreg.gather [hbm4b:s16+s1], $0x80, v3, vm1, $0xb8;
	[tilespmem:$0x1C200] =	vst v63  }
0x57: {  	s31 =	simm.s32 $0x200;
	s30 =	rddreg [dreg:$0x15]  }
0x58: {  	[tilespmem:s31], [sflag:$0x3] =	stream.linear.gather [hbm4b:s30+s1], $0x2000, $0x38;
	[tilespmem:$0x1C200] =	vst v63  }
0x59: {  	v3 =	vld [tilespmem:$0x8]  }
0x5a: {  	v4 =	vld [tilespmem:$0x40]  }
0x5b: {  	v53 =	vld [tilespmem:$0x88]  }
0x5c: {  	v54 =	vld [tilespmem:$0xC0]  }
0x5d: {  	v7 =	vld [tilespmem:$0x10]  }
0x5e: {  	v8 =	vld [tilespmem:$0x48]  }
0x5f: {  	v9 =	vld [tilespmem:$0x90]  }
0x60: {  	v10 =	vld [tilespmem:$0xC8]  }
0x61: {  	v11 =	vld [tilespmem:$0x18]  }
0x62: {  	v12 =	vld [tilespmem:$0x50]  }
0x63: {  	v13 =	vld [tilespmem:$0x98]  }
0x64: {  	v14 =	vld [tilespmem:$0xD0]  }
0x65: {  	v15 =	vld [tilespmem:$0x20]  }
0x66: {  	v16 =	vld [tilespmem:$0x58]  }
0x67: {  	v17 =	vld [tilespmem:$0xA0]  }
0x68: {  	v18 =	vld [tilespmem:$0xD8]  }
0x69: {  	v19 =	vld [tilespmem:$0x28]  }
0x6a: {  	v20 =	vld [tilespmem:$0x60]  }
0x6b: {  	v21 =	vld [tilespmem:$0xA8]  }
0x6c: {  	v55 =	vld [tilespmem:$0xE0];
	v3 =	vsel vm0, v3, v4  }
0x6d: {  	v56 =	vld [tilespmem:$0x30];
	[tilespmem:$0x120] =	vst v3;
	v3 =	vsel vm0, v53, v54  }
0x6e: {  	v57 =	vld [tilespmem:$0x68];
	[tilespmem:$0x130] =	vst v3;
	v3 =	vsel vm0, v7, v8  }
0x6f: {  	v58 =	vld [tilespmem:$0xB0];
	[tilespmem:$0x140] =	vst v3;
	v3 =	vsel vm0, v9, v10  }
0x70: {  	v59 =	vld [tilespmem:$0xE8];
	[tilespmem:$0x150] =	vst v3;
	v3 =	vsel vm0, v11, v12  }
0x71: {  	v60 =	vld [tilespmem:$0x38];
	[tilespmem:$0x160] =	vst v3;
	v3 =	vsel vm0, v13, v14  }
0x72: {  	v61 =	vld [tilespmem:$0x70];
	[tilespmem:$0x170] =	vst v3;
	v3 =	vsel vm0, v15, v16  }
0x73: {  	v62 =	vld [tilespmem:$0xB8];
	[tilespmem:$0x180] =	vst v3;
	v3 =	vsel vm0, v17, v18  }
0x74: {  	v63 =	vld [tilespmem:$0xF0];
	[tilespmem:$0x190] =	vst v3;
	v3 =	vsel vm0, v19, v20  }
0x75: {  	[tilespmem:$0x1A0] =	vst v3;
	v3 =	vsel vm0, v21, v55  }
0x76: {  	[tilespmem:$0x1B0] =	vst v3;
	v3 =	vsel vm0, v56, v57  }
0x77: {  	[tilespmem:$0x1C0] =	vst v3;
	v3 =	vsel vm0, v58, v59  }
0x78: {  	[tilespmem:$0x1D0] =	vst v3;
	v3 =	vsel vm0, v60, v61  }
0x79: {  	[tilespmem:$0x1E0] =	vst v3;
	v3 =	vsel vm0, v62, v63  }
0x7a: {  	s9 =	simm.s32 $0x0;
	[tilespmem:$0x1F0] =	vst v3  }
.LBB2_2:
0x7b: {  	p0 =	seq.s32 s9, $0x7  }
.Ltmp0:
0x7c: {  	_ = 	snop;
	(pc) =	sbr.rel @p0 .LBB2_4-.Ltmp0, $2  }
0x7d: {  	_ =	sdelay $0x2  }
0x7e: {  	s8 =	sadd.s32 $0x1, s9  }
0x7f: {  	p0 =	slt.u32 s9, $0x2  }
0x80: {  	s0 =	simm.s32 @!p0 $0x2  }
0x81: {  	_ =	swait.ge @!p0 [sflag:s0], $0x8000  }
0x82: {  	s1 =	sshll.u32 s8, $0x5;
	[sflag:s0] =	ssyncset.done @!p0 $0x0  }
0x83: {  	s11 =	sand.u32 $0x3FFFFFE0, s1;
	[sflag:s0] =	ssyncadd.s32 @!p0 $0xFFFF8000  }
0x84: {  	v3 =	vld [tilespmem:s11+$0x100];
	_ =	sdelay $0x4  }
0x85: {  	s12 =	smul.u32 $0xAB, s8;
	v4 =	vshll.u32 v3, $0x3  }
0x86: {  	v3 =	vand.u32 $0x7, v3;
	v4 =	vand.u32 $0xFFFFFFC0, v4  }
0x87: {  	s1 =	sshrl.u32 s12, $0x9;
	v3 =	vor.u32 v3, v4  }
0x88: {  	s1 =	sand.u32 $0x7F, s1;
	v4 =	vperm.xlane v3, v0  }
0x89: {  	s1 =	smul.u32 $0x3, s1  }
0x8a: {  	v4 =	vadd.s32 v1, v4  }
0x8b: {  	s1 =	ssub.s32 s8, s1  }
0x8c: {  	s1 =	sand.u32 $0xFF, s1  }
0x8d: {  	s1 =	sshll.u32 s1, $0xF  }
0x8e: {  	s4 =	simm.s32 $0x0;
	s3 =	rddreg [dreg:$0x1];
	s2 =	sor.u32 $0x4200, s1  }
0x8f: {  	[tilespmem:s2], [sflag:$0x1] =	stream.indirect_vreg.gather [hbm4b:s3+s4], $0x80, v4, vm1, $0xb8;
	[tilespmem:$0x1C200] =	vst v63  }
0x90: {  	s5 =	rddreg [dreg:$0x12];
	s13 =	sor.u32 $0x4A00, s1;
	v3 =	vperm.xlane v3, v2  }
0x91: {  	[tilespmem:s13], [sflag:$0x1] =	stream.indirect_vreg.gather [hbm4b:s5+s4], $0x80, v4, vm1, $0xb8;
	[tilespmem:$0x1C200] =	vst v63  }
0x92: {  	s6 =	rddreg [dreg:$0x13];
	s14 =	sor.u32 $0x5200, s1;
	v3 =	vadd.s32 v1, v3  }
0x93: {  	[tilespmem:s14], [sflag:$0x1] =	stream.indirect_vreg.gather [hbm4b:s6+s4], $0x80, v4, vm1, $0xb8;
	[tilespmem:$0x1C200] =	vst v63  }
0x94: {  	s7 =	rddreg [dreg:$0x14];
	s15 =	sor.u32 $0x5A00, s1  }
0x95: {  	[tilespmem:s15], [sflag:$0x1] =	stream.indirect_vreg.gather [hbm4b:s7+s4], $0x80, v4, vm1, $0xb8;
	[tilespmem:$0x1C200] =	vst v63  }
0x96: {  	s16 =	sor.u32 $0x6200, s1  }
0x97: {  	[tilespmem:s16], [sflag:$0x1] =	stream.indirect_vreg.gather [hbm4b:s3+s4], $0x80, v3, vm1, $0xb8;
	[tilespmem:$0x1C200] =	vst v63  }
0x98: {  	s17 =	sor.u32 $0x6A00, s1  }
0x99: {  	[tilespmem:s17], [sflag:$0x1] =	stream.indirect_vreg.gather [hbm4b:s5+s4], $0x80, v3, vm1, $0xb8;
	[tilespmem:$0x1C200] =	vst v63  }
0x9a: {  	s18 =	sor.u32 $0x7200, s1  }
0x9b: {  	[tilespmem:s18], [sflag:$0x1] =	stream.indirect_vreg.gather [hbm4b:s6+s4], $0x80, v3, vm1, $0xb8;
	[tilespmem:$0x1C200] =	vst v63  }
0x9c: {  	s19 =	sor.u32 $0x7A00, s1  }
0x9d: {  	[tilespmem:s19], [sflag:$0x1] =	stream.indirect_vreg.gather [hbm4b:s7+s4], $0x80, v3, vm1, $0xb8;
	[tilespmem:$0x1C200] =	vst v63  }
0x9e: {  	v3 =	vld [tilespmem:s11+$0x110];
	_ =	sdelay $0x4  }
0x9f: {  	v63 =	vshll.u32 v3, $0x3  }
0xa0: {  	v3 =	vand.u32 $0x7, v3;
	v4 =	vand.u32 $0xFFFFFFC0, v63  }
0xa1: {  	v3 =	vor.u32 v3, v4  }
0xa2: {  	v4 =	vperm.xlane v3, v0;
	_ =	sdelay $0x1  }
0xa3: {  	v4 =	vadd.s32 v1, v4;
	_ =	sdelay $0x3  }
0xa4: {  	s20 =	sadd.s32 $0x8200, s1  }
0xa5: {  	[tilespmem:s20], [sflag:$0x1] =	stream.indirect_vreg.gather [hbm4b:s3+s4], $0x80, v4, vm1, $0xb8;
	[tilespmem:$0x1C200] =	vst v63  }
0xa6: {  	s21 =	sadd.s32 $0x8A00, s1;
	v3 =	vperm.xlane v3, v2  }
0xa7: {  	[tilespmem:s21], [sflag:$0x1] =	stream.indirect_vreg.gather [hbm4b:s5+s4], $0x80, v4, vm1, $0xb8;
	[tilespmem:$0x1C200] =	vst v63  }
0xa8: {  	s22 =	sadd.s32 $0x9200, s1;
	v3 =	vadd.s32 v1, v3  }
0xa9: {  	[tilespmem:s22], [sflag:$0x1] =	stream.indirect_vreg.gather [hbm4b:s6+s4], $0x80, v4, vm1, $0xb8;
	[tilespmem:$0x1C200] =	vst v63  }
0xaa: {  	s23 =	sadd.s32 $0x9A00, s1  }
0xab: {  	[tilespmem:s23], [sflag:$0x1] =	stream.indirect_vreg.gather [hbm4b:s7+s4], $0x80, v4, vm1, $0xb8;
	[tilespmem:$0x1C200] =	vst v63  }
0xac: {  	s29 =	rddreg [dreg:$0x16];
	s24 =	sadd.s32 $0xA200, s1  }
0xad: {  	[tilespmem:s24], [sflag:$0x1] =	stream.indirect_vreg.gather [hbm4b:s3+s4], $0x80, v3, vm1, $0xb8;
	[tilespmem:$0x1C200] =	vst v63  }
0xae: {  	s0 =	sadd.s32 s29, s8;
	s25 =	sadd.s32 $0xAA00, s1  }
0xaf: {  	[tilespmem:s25], [sflag:$0x1] =	stream.indirect_vreg.gather [hbm4b:s5+s4], $0x80, v3, vm1, $0xb8;
	[tilespmem:$0x1C200] =	vst v63  }
0xb0: {  	s30 =	sshll.u32 s8, $0xD;
	s0 =	sshll.u32 s0, $0xA;
	s26 =	sadd.s32 $0xB200, s1  }
0xb1: {  	[tilespmem:s26], [sflag:$0x1] =	stream.indirect_vreg.gather [hbm4b:s6+s4], $0x80, v3, vm1, $0xb8;
	[tilespmem:$0x1C200] =	vst v63  }
0xb2: {  	s31 =	rddreg [dreg:$0x2];
	s28 =	sadd.s32 $0xBA00, s1;
	s1 =	sand.u32 $0x2000, s30  }
0xb3: {  	[tilespmem:s28], [sflag:$0x1] =	stream.indirect_vreg.gather [hbm4b:s7+s4], $0x80, v3, vm1, $0xb8;
	[tilespmem:$0x1C200] =	vst v63  }
0xb4: {  	s0 =	sadd.s32 s31, s0;
	s1 =	sor.u32 $0x200, s1  }
0xb5: {  	[tilespmem:s1], [sflag:$0x3] =	stream.linear.gather [hbm4b:s0+s4], $0x2000, $0x38;
	[tilespmem:$0x1C200] =	vst v63  }
.LBB2_4:
0xb6: {  	s0 =	smul.u32 $0xAB, s9;
	_ =	sdelay $0x1  }
0xb7: {  	s0 =	sshrl.u32 s0, $0x9  }
0xb8: {  	[dreg:$0x1a] =	wrdreg s8;
	s1 =	simm.s32 $0x1;
	s0 =	sand.u32 $0x7F, s0  }
0xb9: {  	_ =	swait.ge [sflag:s1], $0x8000;
	s0 =	smul.u32 $0x3, s0  }
0xba: {  	s2 =	simm.s32 $0x3;
	[sflag:s1] =	ssyncset.done $0x0  }
0xbb: {  	s28 =	sshll.u32 s9, $0xD;
	[sflag:s1] =	ssyncadd.s32 $0xFFFF8000;
	s0 =	ssub.s32 s9, s0  }
0xbc: {  	s1 =	sand.u32 $0x2000, s28;
	_ =	swait.ge [sflag:s2], $0x2000;
	s0 =	sand.u32 $0xFF, s0  }
0xbd: {  	[dreg:$0x1b] =	wrdreg s9;
	s1 =	sor.u32 $0x200, s1;
	s0 =	sshll.u32 s0, $0xF  }
0xbe: {  	[smem:$0x7FD] =	sst s1;
	s29 =	sor.u32 $0x4200, s0  }
0xbf: {  	s30 =	sor.u32 $0x6200, s0;
	[dreg:$0x1f] =	wrdreg s29  }
0xc0: {  	s31 =	sadd.s32 $0x8200, s0;
	[dreg:$0x1e] =	wrdreg s30  }
0xc1: {  	[sflag:s2] =	ssyncset.done $0x0;
	s0 =	sadd.s32 $0xA200, s0;
	[dreg:$0x1d] =	wrdreg s31  }
0xc2: {  	[sflag:s2] =	ssyncadd.s32 $0xFFFFE000;
	[dreg:$0x1c] =	wrdreg s0;
	s0 =	simm.s32 $0x0  }
.LBB2_5:
0xc3: {  	[smem:$0x7FC] =	sst s0  }
0xc4: {  	s19 =	sld [smem:$0x7FD]  }
0xc5: {  	s20 =	rddreg [dreg:$0x1f]  }
0xc6: {  	s7 =	sshll.u32 s0, $0x7;
	s21 =	rddreg [dreg:$0x1e]  }
0xc7: {  	s3 =	rddreg [dreg:$0x1d];
	s0 =	sadd.s32 s7, s19  }
0xc8: {  	[dreg:$0x5] =	wrdreg s0;
	s0 =	sadd.s32 s7, s20  }
0xc9: {  	s22 =	simm.s32 $0x0;
	[dreg:$0x6] =	wrdreg s0  }
0xca: {  	s4 =	sand.u32 $0x40, s22;
	s0 =	sadd.s32 s7, s21;
	s1 =	rddreg [dreg:$0x6]  }
0xcb: {  	s3 =	sadd.s32 s7, s3;
	[dreg:$0x7] =	wrdreg s0;
	s0 =	sand.u32 $0x1C00, s22  }
0xcc: {  	s5 =	sor.u32 $0x30, s4;
	[dreg:$0x8] =	wrdreg s3;
	s6 =	sadd.s32 s0, s1  }
0xcd: {  	s2 =	rddreg [dreg:$0x5];
	s23 =	sadd.s32 s5, s6  }
0xce: {  	s2 =	sadd.s32 s0, s2;
	v3 =	vld [tilespmem:s23+$0x0]  }
0xcf: {  	s24 =	sadd.s32 s5, s2  }
0xd0: {  	v11 =	vld [tilespmem:s24+$0x0];
	_ =	sdelay $0x2  }
0xd1: {  	v3 =	vmul.f32 $3.200000000e+01, v3  }
0xd2: {  	s8 =	sadd.s32 s4, s6  }
0xd3: {  	s9 =	rddreg [dreg:$0x7];
	s1 =	sor.u32 $0x10, s4;
	s10 =	sadd.s32 s4, s2;
	v4 =	vld [tilespmem:s8+$0x0];
	v5 =	vadd.f32 v3, v11  }
0xd4: {  	s11 =	sadd.s32 s1, s6;
	s9 =	sadd.s32 s0, s9;
	v13 =	vld [tilespmem:s10+$0x0]  }
0xd5: {  	v6 =	vld [tilespmem:s11+$0x0];
	s26 =	sadd.s32 s5, s9;
	[tilespmem:s23+$0x0] =	vst v5  }
0xd6: {  	s31 =	sor.u32 $0x20, s4;
	s25 =	sadd.s32 s1, s2;
	v5 =	vld [tilespmem:s26+$0x0]  }
0xd7: {  	s13 =	sadd.s32 s31, s6;
	v3 =	vld [tilespmem:s25+$0x0]  }
0xd8: {  	v7 =	vld [tilespmem:s13+$0x0];
	v4 =	vmul.f32 $3.200000000e+01, v4  }
0xd9: {  	s2 =	sadd.s32 s31, s2  }
0xda: {  	v6 =	vmul.f32 $3.200000000e+01, v6;
	v8 =	vadd.f32 v4, v13;
	v4 =	vld [tilespmem:s2+$0x0]  }
0xdb: {  	s29 =	simm.s32 $0x200;
	s12 =	simm.s32 $0x40;
	s17 =	rddreg [dreg:$0x5];
	v5 =	vmul.f32 $3.200000000e+01, v5  }
0xdc: {  	s15 =	sand.u32 $0x40, s12;
	s28 =	rddreg [dreg:$0x6];
	s6 =	sand.u32 $0x1C00, s29;
	v6 =	vadd.f32 v6, v3  }
0xdd: {  	s16 =	sadd.s32 s4, s9;
	v7 =	vmul.f32 $3.200000000e+01, v7;
	s2 =	sadd.s32 s6, s28;
	[tilespmem:s8+$0x0] =	vst v8;
	s23 =	sor.u32 $0x30, s15;
	v5 =	vadd.f32 v5, v11  }
0xde: {  	s8 =	rddreg [dreg:$0x8];
	v8 =	vld [tilespmem:s16+$0x0];
	s18 =	sadd.s32 s23, s2;
	[tilespmem:s11+$0x0] =	vst v6  }
0xdf: {  	s14 =	sadd.s32 s1, s9;
	s30 =	sadd.s32 s6, s17;
	v6 =	vadd.f32 v7, v4;
	[tilespmem:s26+$0x0] =	vst v5;
	v5 =	vld [tilespmem:s18+$0x0]  }
0xe0: {  	s24 =	sadd.s32 s23, s30;
	s12 =	sadd.s32 s0, s8;
	v9 =	vld [tilespmem:s14+$0x0]  }
0xe1: {  	s3 =	sadd.s32 s5, s12;
	[tilespmem:s13+$0x0] =	vst v6;
	v6 =	vld [tilespmem:s24+$0x0]  }
0xe2: {  	s20 =	sadd.s32 s15, s2;
	v7 =	vld [tilespmem:s3+$0x0]  }
0xe3: {  	s19 =	sadd.s32 s31, s9;
	s10 =	sor.u32 $0x10, s15;
	v12 =	vld [tilespmem:s20+$0x0]  }
0xe4: {  	s11 =	sor.u32 $0x20, s15;
	s24 =	sadd.s32 s10, s2;
	v10 =	vld [tilespmem:s19+$0x0];
	v5 =	vmul.f32 $3.200000000e+01, v5  }
0xe5: {  	v15 =	vmul.f32 $3.200000000e+01, v8;
	s2 =	sadd.s32 s11, s2;
	v14 =	vld [tilespmem:s24+$0x0]  }
0xe6: {  	s25 =	rddreg [dreg:$0x7];
	v16 =	vld [tilespmem:s2+$0x0];
	s26 =	sadd.s32 s15, s30;
	v9 =	vmul.f32 $3.200000000e+01, v9;
	v18 =	vadd.f32 v5, v6  }
0xe7: {  	s21 =	sadd.s32 s10, s30;
	s25 =	sadd.s32 s6, s25;
	v15 =	vadd.f32 v15, v13;
	v8 =	vld [tilespmem:s26+$0x0];
	v17 =	vmul.f32 $3.200000000e+01, v7  }
0xe8: {  	s9 =	simm.s32 $0x80;
	s28 =	rddreg [dreg:$0x1c];
	v9 =	vadd.f32 v9, v3;
	v5 =	vld [tilespmem:s21+$0x0];
	[tilespmem:s18+$0x0] =	vst v18;
	s18 =	sadd.s32 s23, s25  }
0xe9: {  	s8 =	simm.s32 $0x400;
	s17 =	sadd.s32 s1, s12;
	s29 =	sadd.s32 s11, s30;
	[tilespmem:s16+$0x0] =	vst v15;
	v17 =	vadd.f32 v17, v11;
	v15 =	vld [tilespmem:s18+$0x0]  }
0xea: {  	s13 =	sadd.s32 s4, s12;
	s26 =	rddreg [dreg:$0x5];
	s22 =	sadd.s32 s7, s28;
	v10 =	vmul.f32 $3.200000000e+01, v10;
	[tilespmem:s14+$0x0] =	vst v9;
	v7 =	vld [tilespmem:s29+$0x0]  }
0xeb: {  	v12 =	vmul.f32 $3.200000000e+01, v12;
	s28 =	sand.u32 $0x1C00, s8;
	s0 =	sadd.s32 s0, s22;
	v19 =	vld [tilespmem:s17+$0x0];
	[tilespmem:s3+$0x0] =	vst v17;
	s3 =	sand.u32 $0x40, s9  }
0xec: {  	v14 =	vmul.f32 $3.200000000e+01, v14;
	s16 =	sadd.s32 s5, s0;
	s14 =	sadd.s32 s28, s26;
	v18 =	vld [tilespmem:s13+$0x0];
	v17 =	vadd.f32 v10, v4;
	s7 =	sor.u32 $0x30, s3  }
0xed: {  	v9 =	vadd.f32 v12, v8;
	v12 =	vld [tilespmem:s16+$0x0];
	s30 =	sadd.s32 s7, s14  }
0xee: {  	s12 =	sadd.s32 s31, s12;
	[tilespmem:s19+$0x0] =	vst v17;
	v14 =	vadd.f32 v14, v5;
	v10 =	vld [tilespmem:s30+$0x0];
	v15 =	vmul.f32 $3.200000000e+01, v15  }
0xef: {  	v16 =	vmul.f32 $3.200000000e+01, v16;
	s26 =	sadd.s32 s15, s25;
	s21 =	rddreg [dreg:$0x6];
	[tilespmem:s20+$0x0] =	vst v9;
	v17 =	vld [tilespmem:s12+$0x0]  }
0xf0: {  	s20 =	sadd.s32 s28, s21;
	s30 =	rddreg [dreg:$0x8];
	[tilespmem:s24+$0x0] =	vst v14;
	v14 =	vld [tilespmem:s26+$0x0];
	s24 =	sadd.s32 s10, s25;
	v15 =	vadd.f32 v15, v6  }
0xf1: {  	v16 =	vadd.f32 v16, v7;
	s19 =	sadd.s32 s7, s20;
	v18 =	vmul.f32 $3.200000000e+01, v18;
	v20 =	vld [tilespmem:s24+$0x0]  }
0xf2: {  	s29 =	sadd.s32 s3, s14;
	s5 =	sadd.s32 s6, s30;
	v12 =	vmul.f32 $3.200000000e+01, v12;
	[tilespmem:s18+$0x0] =	vst v15;
	v15 =	vld [tilespmem:s19+$0x0]  }
0xf3: {  	v9 =	vld [tilespmem:s29+$0x0];
	[tilespmem:s2+$0x0] =	vst v16;
	v16 =	vadd.f32 v18, v13;
	v18 =	vmul.f32 $3.200000000e+01, v19;
	s18 =	sadd.s32 s23, s5  }
0xf4: {  	s2 =	sadd.s32 s11, s25;
	v11 =	vadd.f32 v12, v11;
	v17 =	vmul.f32 $3.200000000e+01, v17;
	v19 =	vld [tilespmem:s18+$0x0]  }
0xf5: {  	s25 =	sadd.s32 s3, s20;
	v12 =	vld [tilespmem:s2+$0x0];
	[tilespmem:s13+$0x0] =	vst v16;
	v16 =	vadd.f32 v18, v3;
	v14 =	vmul.f32 $3.200000000e+01, v14  }
0xf6: {  	s30 =	sor.u32 $0x10, s3;
	s13 =	smov.u32 s28;
	s28 =	sadd.s32 s4, s0;
	v18 =	vld [tilespmem:s25+$0x0];
	[tilespmem:s16+$0x0] =	vst v11;
	v20 =	vmul.f32 $3.200000000e+01, v20;
	v11 =	vadd.f32 v17, v4  }
0xf7: {  	s29 =	sadd.s32 s30, s20;
	v21 =	vld [tilespmem:s28+$0x0];
	[tilespmem:s17+$0x0] =	vst v16;
	v14 =	vadd.f32 v14, v8;
	v15 =	vmul.f32 $3.200000000e+01, v15  }
0xf8: {  	v16 =	vld [tilespmem:s29+$0x0];
	s16 =	sor.u32 $0x20, s3;
	s17 =	sadd.s32 s30, s14;
	[tilespmem:s12+$0x0] =	vst v11;
	v17 =	vadd.f32 v20, v5  }
0xf9: {  	s20 =	sadd.s32 s16, s20;
	v11 =	vld [tilespmem:s17+$0x0];
	[tilespmem:s26+$0x0] =	vst v14;
	v19 =	vmul.f32 $3.200000000e+01, v19;
	v15 =	vadd.f32 v15, v10  }
0xfa: {  	s21 =	rddreg [dreg:$0x7];
	v20 =	vld [tilespmem:s20+$0x0];
	v14 =	vmul.f32 $3.200000000e+01, v12;
	s26 =	sadd.s32 s16, s14;
	[tilespmem:s24+$0x0] =	vst v17  }
0xfb: {  	s14 =	sadd.s32 s15, s5;
	v12 =	vld [tilespmem:s26+$0x0];
	v17 =	vmul.f32 $3.200000000e+01, v18;
	s26 =	sadd.s32 s13, s21;
	v18 =	vadd.f32 v19, v6;
	[tilespmem:s19+$0x0] =	vst v15  }
0xfc: {  	s6 =	sadd.s32 s6, s22;
	v63 =	vld [tilespmem:s14+$0x0];
	v14 =	vadd.f32 v14, v7;
	s17 =	sadd.s32 s7, s26;
	v19 =	vmul.f32 $3.200000000e+01, v21;
	[dreg:$0x9] =	wrdreg s22  }
0xfd: {  	s23 =	sadd.s32 s23, s6;
	s21 =	sadd.s32 s1, s0;
	s1 =	sadd.s32 s10, s5;
	v17 =	vadd.f32 v17, v9;
	v15 =	vmul.f32 $3.200000000e+01, v16;
	[tilespmem:s18+$0x0] =	vst v18;
	v16 =	vld [tilespmem:s17+$0x0]  }
0xfe: {  	s24 =	sadd.s32 s15, s6;
	s15 =	smov.u32 s30;
	s12 =	sadd.s32 s3, s26;
	[tilespmem:s2+$0x0] =	vst v14;
	v18 =	vadd.f32 v19, v13;
	v14 =	vld [tilespmem:s1+$0x0]  }
0xff: {  	s22 =	sadd.s32 s31, s0;
	s31 =	sadd.s32 s11, s5;
	s5 =	sadd.s32 s30, s26;
	[tilespmem:s25+$0x0] =	vst v17;
	v17 =	vmul.f32 $3.200000000e+01, v20;
	v19 =	vadd.f32 v15, v11;
	v13 =	vld [tilespmem:s23+$0x0]  }
0x100: {  	s18 =	sadd.s32 s10, s6;
	s6 =	sadd.s32 s11, s6;
	s4 =	smov.u32 s31;
	v15 =	vld [tilespmem:s31+$0x0];
	[tilespmem:s28+$0x0] =	vst v18  }
0x101: {  	s10 =	simm.s32 $0x8;
	s11 =	sadd.s32 s16, s26;
	s2 =	rddreg [dreg:$0x8];
	[tilespmem:s29+$0x0] =	vst v19;
	v19 =	vadd.f32 v17, v12;
	v17 =	vld [tilespmem:s12+$0x0];
	v18 =	vmul.f32 $3.200000000e+01, v63  }
.LBB2_6:
0x102: {  	v20 =	vld [tilespmem:s5+$0x0]  }
0x103: {  	[dreg:$0xd] =	wrdreg s7;
	[tilespmem:s20+$0x0] =	vst v19;
	v16 =	vmul.f32 $3.200000000e+01, v16  }
0x104: {  	[dreg:$0xc] =	wrdreg s18;
	s8 =	sadd.s32 $0x200, s8;
	s9 =	sadd.s32 $0x40, s9;
	v18 =	vadd.f32 v18, v8;
	v19 =	vld [tilespmem:s11+$0x0];
	v13 =	vmul.f32 $3.200000000e+01, v13  }
0x105: {  	s0 =	rddreg [dreg:$0x6];
	v21 =	vld [tilespmem:s21+$0x0];
	s28 =	sand.u32 $0x40, s9;
	s26 =	sand.u32 $0x1C00, s8;
	v16 =	vadd.f32 v16, v10;
	v14 =	vmul.f32 $3.200000000e+01, v14  }
0x106: {  	[dreg:$0xa] =	wrdreg s8;
	s8 =	sadd.s32 s26, s0;
	s0 =	sor.u32 $0x30, s28;
	[tilespmem:s14+$0x0] =	vst v18;
	v18 =	vld [tilespmem:s22+$0x0];
	v15 =	vmul.f32 $3.200000000e+01, v15;
	v13 =	vadd.f32 v13, v6  }
0x107: {  	s19 =	rddreg [dreg:$0x5];
	s25 =	smov.u32 s21;
	s18 =	sadd.s32 s0, s8;
	[tilespmem:s17+$0x0] =	vst v16;
	v16 =	vld [tilespmem:s24+$0x0];
	v20 =	vmul.f32 $3.200000000e+01, v20;
	v6 =	vmovc v10;
	v10 =	vmul.f32 $3.200000000e+01, v17;
	v14 =	vadd.f32 v14, v5  }
0x108: {  	s21 =	sadd.s32 s13, s2;
	s29 =	sor.u32 $0x10, s28;
	s2 =	sadd.s32 s28, s8;
	v17 =	vld [tilespmem:s18+$0x0];
	v15 =	vadd.f32 v15, v7;
	[tilespmem:s23+$0x0] =	vst v13  }
0x109: {  	s30 =	sor.u32 $0x20, s28;
	s17 =	sadd.s32 s26, s19;
	s19 =	sadd.s32 s7, s21;
	v19 =	vmul.f32 $3.200000000e+01, v19;
	v13 =	vadd.f32 v10, v9;
	[tilespmem:s1+$0x0] =	vst v14;
	v14 =	vadd.f32 v20, v11;
	v20 =	vld [tilespmem:s2+$0x0]  }
0x10a: {  	s31 =	sadd.s32 s29, s8;
	s20 =	sadd.s32 s30, s8;
	s8 =	sadd.s32 s0, s17;
	[tilespmem:s4+$0x0] =	vst v15;
	v15 =	vmul.f32 $3.200000000e+01, v21;
	v22 =	vld [tilespmem:s19+$0x0]  }
0x10b: {  	[dreg:$0xb] =	wrdreg s6;
	s10 =	sadd.s32 $0x4, s10;
	s6 =	smov.u32 s15;
	v10 =	vld [tilespmem:s8+$0x0];
	[tilespmem:s12+$0x0] =	vst v13;
	v13 =	vadd.f32 v19, v12  }
0x10c: {  	s15 =	smov.u32 s3;
	s3 =	smov.u32 s22;
	p0 =	slt.u32 s10, $0x3C;
	v18 =	vmul.f32 $3.200000000e+01, v18;
	v19 =	vld [tilespmem:s31+$0x0];
	[tilespmem:s5+$0x0] =	vst v14;
	v14 =	vmul.f32 $3.200000000e+01, v16;
	v15 =	vadd.f32 v15, v3  }
0x10d: {  	s14 =	sadd.s32 s15, s21;
	s22 =	sadd.s32 s29, s17;
	s23 =	sadd.s32 s28, s17;
	v16 =	vld [tilespmem:s20+$0x0];
	[tilespmem:s11+$0x0] =	vst v13  }
0x10e: {  	s7 =	sadd.s32 s30, s17;
	s1 =	sadd.s32 s16, s21;
	s17 =	rddreg [dreg:$0x7];
	v17 =	vmul.f32 $3.200000000e+01, v17;
	v13 =	vadd.f32 v18, v4;
	v14 =	vadd.f32 v14, v8;
	[tilespmem:s25+$0x0] =	vst v15;
	v8 =	vmovc v9;
	v9 =	vld [tilespmem:s23+$0x0]  }
0x10f: {  	s8 =	sadd.s32 s6, s21;
	s4 =	sadd.s32 s26, s17;
	v3 =	vmov v5;
	v5 =	vmov v11;
	s23 =	rddreg [dreg:$0xc];
	v11 =	vld [tilespmem:s22+$0x0]  }
0x110: {  	s12 =	sadd.s32 s28, s4;
	s17 =	sadd.s32 s0, s4;
	s25 =	rddreg [dreg:$0xb];
	v18 =	vmul.f32 $3.200000000e+01, v22;
	v15 =	vadd.f32 v17, v10;
	[tilespmem:s3+$0x0] =	vst v13  }
0x111: {  	s5 =	sadd.s32 s29, s4;
	v4 =	vmov v7;
	v7 =	vmov v12;
	s11 =	rddreg [dreg:$0x9];
	s21 =	smov.u32 s23;
	[tilespmem:s24+$0x0] =	vst v14;
	v12 =	vld [tilespmem:s7+$0x0]  }
0x112: {  	s22 =	smov.u32 s25;
	s13 =	sadd.s32 s13, s11;
	s11 =	sadd.s32 s30, s4;
	v13 =	vmul.f32 $3.200000000e+01, v20;
	v14 =	vmul.f32 $3.200000000e+01, v19;
	v17 =	vadd.f32 v18, v6;
	[tilespmem:s18+$0x0] =	vst v15;
	v18 =	vld [tilespmem:s14+$0x0]  }
.Ltmp1:
0x113: {  	s25 =	rddreg [dreg:$0xd];
	s4 =	smov.u32 s1;
	v15 =	vmul.f32 $3.200000000e+01, v16;
	v16 =	vld [tilespmem:s17+$0x0];
	(pc) =	sbr.rel @p0 .LBB2_6-.Ltmp1, $4  }
0x114: {  	s23 =	sadd.s32 s25, s13;
	s24 =	sadd.s32 s15, s13;
	s3 =	smov.u32 s28;
	[tilespmem:s19+$0x0] =	vst v17;
	v17 =	vadd.f32 v13, v9;
	v20 =	vadd.f32 v14, v11;
	v14 =	vld [tilespmem:s8+$0x0]  }
0x115: {  	s15 =	smov.u32 s29;
	s7 =	smov.u32 s0;
	s18 =	sadd.s32 s6, s13;
	v13 =	vld [tilespmem:s23+$0x0]  }
0x116: {  	s6 =	sadd.s32 s16, s13;
	[tilespmem:s2+$0x0] =	vst v17;
	v19 =	vadd.f32 v15, v12;
	v15 =	vld [tilespmem:s1+$0x0];
	s1 =	smov.u32 s8;
	s8 =	rddreg [dreg:$0xa]  }
0x117: {  	s13 =	smov.u32 s26;
	s16 =	smov.u32 s30;
	s2 =	rddreg [dreg:$0x8];
	[tilespmem:s31+$0x0] =	vst v20;
	v17 =	vld [tilespmem:s12+$0x0];
	v18 =	vmul.f32 $3.200000000e+01, v18  }
0x118: {  	_ =	sdelay $0x2  }
0x119: {  	v16 =	vmul.f32 $3.200000000e+01, v16  }
0x11a: {  	v20 =	vld [tilespmem:s5+$0x0];
	[tilespmem:s20+$0x0] =	vst v19;
	v17 =	vmul.f32 $3.200000000e+01, v17  }
0x11b: {  	v19 =	vld [tilespmem:s11+$0x0];
	v16 =	vadd.f32 v16, v10  }
0x11c: {  	s0 =	sadd.s32 s13, s2;
	v17 =	vadd.f32 v17, v9  }
0x11d: {  	s2 =	sadd.s32 s7, s0;
	[tilespmem:s17+$0x0] =	vst v16  }
0x11e: {  	s28 =	sadd.s32 s3, s0;
	v39 =	vld [tilespmem:s2+$0x0];
	[tilespmem:s12+$0x0] =	vst v17  }
0x11f: {  	v38 =	vmul.f32 $3.200000000e+01, v20;
	v41 =	vld [tilespmem:s28+$0x0]  }
0x120: {  	v18 =	vadd.f32 v18, v8;
	v19 =	vmul.f32 $3.200000000e+01, v19  }
0x121: {  	v21 =	vld [tilespmem:s21+$0x0];
	v14 =	vmul.f32 $3.200000000e+01, v14;
	v16 =	vadd.f32 v38, v11  }
0x122: {  	v45 =	vld [tilespmem:s22+$0x0];
	v15 =	vmul.f32 $3.200000000e+01, v15;
	[tilespmem:s14+$0x0] =	vst v18;
	v40 =	vadd.f32 v19, v12  }
0x123: {  	s8 =	sadd.s32 s15, s0;
	v14 =	vadd.f32 v14, v5;
	v46 =	vld [tilespmem:s24+$0x0];
	[tilespmem:s5+$0x0] =	vst v16;
	v43 =	vmul.f32 $3.200000000e+01, v39  }
0x124: {  	s0 =	sadd.s32 s16, s0;
	v15 =	vadd.f32 v15, v7;
	[tilespmem:s11+$0x0] =	vst v40;
	v42 =	vld [tilespmem:s8+$0x0];
	v16 =	vmul.f32 $3.200000000e+01, v41  }
0x125: {  	v13 =	vmul.f32 $3.200000000e+01, v13;
	v44 =	vld [tilespmem:s0+$0x0];
	s5 =	rddreg [dreg:$0x9];
	[tilespmem:s1+$0x0] =	vst v14;
	v19 =	vadd.f32 v43, v10  }
0x126: {  	s9 =	smov.u32 s7;
	v21 =	vmul.f32 $3.200000000e+01, v21;
	[tilespmem:s4+$0x0] =	vst v15;
	s5 =	sadd.s32 s13, s5;
	v48 =	vld [tilespmem:s18+$0x0];
	v16 =	vadd.f32 v16, v9  }
0x127: {  	v6 =	vadd.f32 v13, v6;
	v50 =	vmul.f32 $3.200000000e+01, v45;
	v49 =	vld [tilespmem:s6+$0x0];
	s29 =	sadd.s32 s9, s5;
	[tilespmem:s2+$0x0] =	vst v19  }
0x128: {  	v3 =	vadd.f32 v21, v3;
	v52 =	vmul.f32 $3.200000000e+01, v46;
	s30 =	sadd.s32 s3, s5;
	v47 =	vld [tilespmem:s29+$0x0];
	[tilespmem:s28+$0x0] =	vst v16  }
0x129: {  	v4 =	vadd.f32 v50, v4;
	[tilespmem:s23+$0x0] =	vst v6;
	v17 =	vmul.f32 $3.200000000e+01, v42;
	v51 =	vld [tilespmem:s30+$0x0]  }
0x12a: {  	v56 =	vadd.f32 v52, v8;
	[tilespmem:s21+$0x0] =	vst v3;
	v20 =	vmul.f32 $3.200000000e+01, v44  }
0x12b: {  	[tilespmem:s22+$0x0] =	vst v4;
	v17 =	vadd.f32 v17, v11;
	v3 =	vmul.f32 $3.200000000e+01, v48  }
0x12c: {  	[tilespmem:s24+$0x0] =	vst v56;
	v58 =	vmul.f32 $3.200000000e+01, v49;
	v20 =	vadd.f32 v20, v12  }
0x12d: {  	[tilespmem:s8+$0x0] =	vst v17;
	v3 =	vadd.f32 v3, v5;
	v54 =	vmul.f32 $3.200000000e+01, v47  }
0x12e: {  	v60 =	vadd.f32 v58, v7;
	[tilespmem:s0+$0x0] =	vst v20;
	v59 =	vmul.f32 $3.200000000e+01, v51  }
0x12f: {  	[tilespmem:s18+$0x0] =	vst v3;
	v57 =	vadd.f32 v54, v10  }
0x130: {  	[tilespmem:s6+$0x0] =	vst v60;
	v62 =	vadd.f32 v59, v9  }
0x131: {  	s31 =	sadd.s32 s15, s5;
	[tilespmem:s29+$0x0] =	vst v57  }
0x132: {  	s5 =	sadd.s32 s16, s5;
	v53 =	vld [tilespmem:s31+$0x0];
	[tilespmem:s30+$0x0] =	vst v62  }
0x133: {  	v55 =	vld [tilespmem:s5+$0x0];
	s0 =	sld [smem:$0x7FC];
	_ =	sdelay $0x2  }
0x134: {  	s0 =	sadd.s32 $0x1, s0  }
0x135: {  	v61 =	vmul.f32 $3.200000000e+01, v53;
	p0 =	sne.s32 s0, $0x8  }
.Ltmp2:
0x136: {  	v3 =	vmul.f32 $3.200000000e+01, v55;
	(pc) =	sbr.rel @p0 .LBB2_5-.Ltmp2, $4  }
0x137: {  	v63 =	vadd.f32 v61, v11  }
0x138: {  	v3 =	vadd.f32 v3, v12  }
0x139: {  	[tilespmem:s31+$0x0] =	vst v63  }
0x13a: {  	[tilespmem:s5+$0x0] =	vst v3  }
0x13b: {  	s0 =	rddreg [dreg:$0x16]  }
0x13c: {  	s1 =	rddreg [dreg:$0x1b]  }
0x13d: {  	s2 =	rddreg [dreg:$0x3];
	s0 =	sor.u32 s0, s1  }
0x13e: {  	s3 =	simm.s32 $0x0;
	s4 =	rddreg [dreg:$0x1f];
	s0 =	sshll.u32 s0, $0xA  }
0x13f: {  	s31 =	rddreg [dreg:$0x1a];
	s23 =	sadd.s32 s2, s0;
	s24 =	sor.u32 $0x40000, s0  }
0x140: {  	[hbm4b:s23+s3] =	stream.linear.scatter [tilespmem:s4], [sflag:$0x2], $0x2000, $0x38;
	[tilespmem:$0x1C200] =	vst v63  }
0x141: {  	s25 =	rddreg [dreg:$0x1e];
	p0 =	sne.s32 s31, $0x8;
	s1 =	sadd.s32 s2, s24  }
0x142: {  	[hbm4b:s1+s3] =	stream.linear.scatter [tilespmem:s25], [sflag:$0x2], $0x2000, $0x38;
	[tilespmem:$0x1C200] =	vst v63  }
.Ltmp3:
0x143: {  	s28 =	rddreg [dreg:$0x1d];
	s26 =	sor.u32 $0x80000, s0;
	(pc) =	sbr.rel @p0 .LBB2_2-.Ltmp3, $4  }
0x144: {  	s29 =	rddreg [dreg:$0x17];
	s1 =	sadd.s32 s2, s26  }
0x145: {  	[hbm4b:s1+s3] =	stream.linear.scatter [tilespmem:s28], [sflag:$0x2], $0x2000, $0x38;
	[tilespmem:$0x1C200] =	vst v63  }
0x146: {  	s30 =	rddreg [dreg:$0x1c];
	s9 =	smov.u32 s31;
	s0 =	sadd.s32 s0, s29  }
0x147: {  	[hbm4b:s0+s3] =	stream.linear.scatter [tilespmem:s30], [sflag:$0x2], $0x2000, $0x38;
	[tilespmem:$0x1C200] =	vst v63  }
0x148: {  	s1 =	simm.s32 $0x2  }
0x149: {  	_ =	swait.ge [sflag:s1], $0x8000  }
0x14a: {  	[sflag:s1] =	ssyncset.done $0x0  }
0x14b: {  	[sflag:s1] =	ssyncadd.s32 $0xFFFF8000  }
0x14c: {  	_ =	swait.ge [sflag:s1], $0x8000  }
0x14d: {  	[sflag:s1] =	ssyncset.done $0x0  }
0x14e: {  	[sflag:s1] =	ssyncadd.s32 $0xFFFF8000  }
0x14f: {  	_ =	swait.ge [sflag:s1], $0x8000  }
0x150: {  	s2 =	rddreg [dreg:$0x19]  }
0x151: {  	s0 =	rddreg [dreg:$0x18];
	s2 =	sadd.s32 $0x1, s2  }
0x152: {  	p0 =	sne.s32 s2, s0  }
.Ltmp4:
0x153: {  	_ = 	snop;
	(pc) =	sbr.rel @p0 .LBB2_1-.Ltmp4, $3  }
0x154: {  	_ =	sdelay $0x1  }
0x155: {  	[sflag:s1] =	ssyncset.done $0x0  }
0x156: {  	[sflag:s1] =	ssyncadd.s32 $0xFFFF8000  }
0x157: {  	_ =	sfence.sel $0x180000  }
0x158: {  	[bflag:$0x0] =	sbarrier.arrive $0xFFFF  }
0x159: {  	_ =	strace $0x90000047  }
0x15a: {  	s0 =	stileid.u32;
	[bflag:$0x2] =	sbarrier.arrive $0xFFFF  }
0x15b: {  	p0 =	sne.s32 s0, $0x0;
	s0 =	rddreg [dreg:$0x4]  }
0x15c: {  	s0 =	sadd.s32 @!p0 $0x100000, s0  }
0x15d: {  	[sflag:s0] =	ssyncadd.tile.s32 @!p0 $0x1;
	_ =	shalt  }
.Lfunc_end2:
_tile_overlayer_lowered:
.L_overlay_start_2:
0x15e: {  	(tag) =	ssettag $0x2  }
0x15f: {  	s0 =	rddreg [dreg:$0x0];
	s2 =	stileid.u32  }
0x160: {  	s1 =	rddreg [dreg:$0x1];
	p0 =	sne.s32 s2, $0x0  }
0x161: {  	s3 =	rddreg [dreg:$0x2];
	[bflag:$0x3] =	sbarrier.arrive $0xFFFF;
	s2 =	simm.s32 @!p0 $0x1C04  }
0x162: {  	[timem:s3], [sflag:s2] =	dma.local @!p0 [hbm:s0], s1  }
0x163: {  	s0 =	simm.s32 @!p0 $0x4  }
0x164: {  	_ =	swait.ge @!p0 [sflag:s0], s1  }
0x165: {  	s1 =	ssub.s32 @!p0 $0x0, s1;
	[sflag:s0] =	ssyncset.done @!p0 $0x0  }
0x166: {  	[sflag:s0] =	ssyncadd.s32 @!p0 s1  }
0x167: {  	[bflag:$0x3] =	sbarrier.arrive $0xFFFF  }
0x168: {  	_ =	shalt  }

</sc_bundles>
